<compile_context>
chip_gen: v7x
topology: tpu7x:2x2x1
jax: 0.10.2.dev20260603
libtpu: 0.0.44.dev20260713+nightly
codegen_flags: <defaults>
</compile_context>

<pallas_src>
import functools

import jax
import jax.numpy as jnp
from jax import lax
from jax.experimental import pallas as pl
from jax.experimental.pallas import tpu as pltpu
from jax.experimental.pallas import tpu_sc as plsc

NNEIGH = 16
TBLW = 256
XYZW = 16
TQ_TOPK = 256
TQ_ATT = 128
SC_CORES = 2
SC_SUBCORES = 16
SC_CHUNK = 128


def _prep_body(points_ref, lat_ref, W_qs_ref, W_ks_ref, W_vs_ref,
               W_kg_ref, W_vg_ref, d_b2_ref, g_w1_ref, g_b1_ref, g_w2_ref,
               g_b2_ref, d_w2_ref, table_ref, cvec_ref, lgl_ref, vg_ref,
               wdg_ref, dw2b_ref, gw2b_ref):
    pts = points_ref[0]
    g_w1 = g_w1_ref[...]
    W_ksg = jnp.dot(W_ks_ref[...], g_w1, preferred_element_type=jnp.float32)
    Kg = jnp.dot(pts, W_ksg, preferred_element_type=jnp.float32)
    V = jnp.dot(pts, W_vs_ref[...], preferred_element_type=jnp.float32)
    kg_b = lax.bitcast_convert_type(Kg.astype(jnp.bfloat16), jnp.int16)
    v_b = lax.bitcast_convert_type(V.astype(jnp.bfloat16), jnp.int16)
    table_ref[...] = ((kg_b.astype(jnp.int32) & 0xFFFF)
                      | (v_b.astype(jnp.int32) << 16))

    lat = lat_ref[...]
    q = jnp.dot(lat, W_qs_ref[...], preferred_element_type=jnp.float32)
    qg = jnp.dot(q, g_w1, preferred_element_type=jnp.float32)
    b2g = jnp.dot(d_b2_ref[...], g_w1, preferred_element_type=jnp.float32)
    cvec_ref[...] = qg + b2g + g_b1_ref[...]
    kglob = jnp.dot(lat, W_kg_ref[...], preferred_element_type=jnp.float32)
    hg = jnp.maximum(
        jnp.dot(q - kglob, g_w1, preferred_element_type=jnp.float32)
        + g_b1_ref[...], 0.0)
    lgl_ref[...] = (jnp.dot(hg, g_w2_ref[...],
                            preferred_element_type=jnp.float32)
                    + g_b2_ref[...])
    vg_ref[...] = jnp.dot(lat, W_vg_ref[...],
                          preferred_element_type=jnp.float32)
    wdg = jnp.dot(d_w2_ref[...], g_w1, preferred_element_type=jnp.float32)
    wdg_ref[...] = wdg.astype(jnp.bfloat16)
    dw2b_ref[...] = d_w2_ref[...].astype(jnp.bfloat16)
    gw2b_ref[...] = g_w2_ref[...].astype(jnp.bfloat16)


def _prep_call(points, lat_rep, W_qs, W_ks, W_vs, W_kg, W_vg, d_b2,
               g_w1, g_b1, g_w2, g_b2, d_w2):
    B, N, DI = points.shape
    DIM = W_qs.shape[1]
    full = lambda s: pl.BlockSpec(s, lambda b: tuple(0 for _ in s))
    return pl.pallas_call(
        _prep_body,
        grid=(B,),
        in_specs=[
            pl.BlockSpec((1, N, DI), lambda b: (b, 0, 0)),
            full((B, DI)), full((DI, DIM)), full((DI, DIM)), full((DI, DIM)),
            full((DI, DIM)), full((DI, DIM)), full((1, DIM)),
            full((DIM, DIM)), full((1, DIM)), full((DIM, DIM)),
            full((1, DIM)), full((DIM, DIM)),
        ],
        out_specs=[
            pl.BlockSpec((N, TBLW), lambda b: (b, 0)),
            full((B, DIM)), full((B, DIM)), full((B, DIM)),
            full((DIM, DIM)), full((DIM, DIM)), full((DIM, DIM)),
        ],
        out_shape=[
            jax.ShapeDtypeStruct((B * N, TBLW), jnp.int32),
            jax.ShapeDtypeStruct((B, DIM), jnp.float32),
            jax.ShapeDtypeStruct((B, DIM), jnp.float32),
            jax.ShapeDtypeStruct((B, DIM), jnp.float32),
            jax.ShapeDtypeStruct((DIM, DIM), jnp.bfloat16),
            jax.ShapeDtypeStruct((DIM, DIM), jnp.bfloat16),
            jax.ShapeDtypeStruct((DIM, DIM), jnp.bfloat16),
        ],
    )(points, lat_rep, W_qs, W_ks, W_vs, W_kg, W_vg, d_b2, g_w1, g_b1,
      g_w2, g_b2, d_w2)


def _topk_body(xq_ref, xzT_ref, out_ref, d_ref, *, n, boff):
    b = pl.program_id(0) + boff
    xq = xq_ref[0]
    xzT = xzT_ref[0]
    xn = jnp.sum(xzT * xzT, axis=0, keepdims=True)
    qn = jnp.sum(xq * xq, axis=1, keepdims=True)
    cross = lax.dot_general(xq, xzT, (((1,), (0,)), ((), ())),
                            preferred_element_type=jnp.float32)
    d0 = (qn + xn) - 2.0 * cross
    d_ref[...] = d0
    tq = d0.shape[0]
    cq = 256

    def chunk(c, carry):
        dd = d_ref[pl.ds(c * cq, cq), :]
        iota = lax.broadcasted_iota(jnp.int32, (cq, n), 1)
        lane_k = lax.broadcasted_iota(jnp.int32, (cq, NNEIGH), 1)

        def step(k, kc):
            d, acc = kc
            m = jnp.min(d, axis=1, keepdims=True)
            idx = jnp.min(jnp.where(d <= m, iota, n), axis=1, keepdims=True)
            acc = jnp.where(lane_k == k, idx, acc)
            d = jnp.where(iota == idx, jnp.float32(3e38), d)
            return d, acc

        _, acc = lax.fori_loop(
            0, NNEIGH, step, (dd, jnp.zeros((cq, NNEIGH), jnp.int32)))
        out_ref[0, pl.ds(c * cq, cq), :] = acc + b * n
        return carry

    lax.fori_loop(0, tq // cq, chunk, 0)


def _topk_call(xyz_q, xyzT, boff=0):
    B, NQ, _ = xyz_q.shape
    N = xyzT.shape[2]
    nt = NQ // TQ_TOPK
    return pl.pallas_call(
        functools.partial(_topk_body, n=N, boff=boff),
        grid=(B, nt),
        in_specs=[
            pl.BlockSpec((1, TQ_TOPK, 3), lambda b, t: (b, t, 0)),
            pl.BlockSpec((1, 3, N), lambda b, t: (b, 0, 0)),
        ],
        out_specs=pl.BlockSpec((1, TQ_TOPK, NNEIGH), lambda b, t: (b, t, 0)),
        out_shape=jax.ShapeDtypeStruct((B, NQ, NNEIGH), jnp.int32),
        scratch_shapes=[pltpu.VMEM((TQ_TOPK, N), jnp.float32)],
    )(xyz_q, xyzT)


def _gather_body(table_hbm, gidx_hbm, out_hbm, idx_v, rows_v, sem, *,
                 rows_per_worker):
    wid = (lax.axis_index("s") * SC_CORES + lax.axis_index("c"))
    base = wid * rows_per_worker
    pltpu.sync_copy(gidx_hbm.at[pl.ds(base, rows_per_worker)], idx_v)

    def chunk(i, carry):
        off = pl.multiple_of(base + i * SC_CHUNK, 8)
        loff = pl.multiple_of(i * SC_CHUNK, 8)
        idx = idx_v.at[pl.ds(loff, SC_CHUNK)]
        pltpu.async_copy(table_hbm.at[idx], rows_v, sem).wait()
        pltpu.sync_copy(rows_v, out_hbm.at[pl.ds(off, SC_CHUNK)])
        return carry

    lax.fori_loop(0, rows_per_worker // SC_CHUNK, chunk, 0)


def _gather_call(table, gidx_flat, width, dtype, tc_tiling):
    rows = gidx_flat.shape[0]
    nw = SC_CORES * SC_SUBCORES
    rpw = rows // nw
    mesh = plsc.VectorSubcoreMesh(core_axis_name="c", subcore_axis_name="s",
                                  num_cores=SC_CORES,
                                  num_subcores=SC_SUBCORES)
    return pl.kernel(
        functools.partial(_gather_body, rows_per_worker=rpw),
        out_type=jax.ShapeDtypeStruct((rows, width), dtype),
        mesh=mesh,
        compiler_params=pltpu.CompilerParams(use_tc_tiling_on_sc=tc_tiling),
        scratch_types=[
            pltpu.VMEM((rpw,), jnp.int32),
            pltpu.VMEM((SC_CHUNK, width), dtype),
            pltpu.SemaphoreType.DMA,
        ],
    )(table, gidx_flat)


def _attend_body(g_ref, xg_ref, xq_ref, cvec_ref, lgl_ref, vg_ref, wdg_ref,
                 d_w1_ref, d_b1_ref, d_w2_ref, d_b2_ref, g_w2_ref, g_b2_ref,
                 out_ref):
    G = g_ref[...]
    tq = out_ref.shape[1]
    k = NNEIGH
    dim = out_ref.shape[2]
    Kg = lax.bitcast_convert_type(
        (G & 0xFFFF).astype(jnp.int16), jnp.bfloat16).astype(jnp.float32)
    V = lax.bitcast_convert_type(
        (G >> 16).astype(jnp.int16), jnp.bfloat16).astype(jnp.float32)
    xg = xg_ref[...][:, :3]
    xq = xq_ref[0]
    xqr = jnp.broadcast_to(xq[:, None, :], (tq, k, 3)).reshape(tq * k, 3)
    rel = xqr - xg
    hd = jnp.maximum(
        jnp.dot(rel, d_w1_ref[...], preferred_element_type=jnp.float32)
        + d_b1_ref[...], 0.0)
    hdb = hd.astype(jnp.bfloat16)
    posg = jnp.dot(hdb, wdg_ref[...], preferred_element_type=jnp.float32)
    cvec = cvec_ref[0]
    hidden = jnp.maximum(cvec - Kg + posg, 0.0).astype(jnp.bfloat16)
    logits = (jnp.dot(hidden, g_w2_ref[...],
                      preferred_element_type=jnp.float32) + g_b2_ref[...])
    pos2 = (jnp.dot(hdb, d_w2_ref[...], preferred_element_type=jnp.float32)
            + d_b2_ref[...])
    w = V + pos2

    L3 = logits.reshape(tq, k, dim)
    W3 = w.reshape(tq, k, dim)
    lg = lgl_ref[0]
    m = jnp.maximum(jnp.max(L3, axis=1), lg)
    e = jnp.exp(L3 - m[:, None, :])
    eg = jnp.exp(lg - m)
    denom = jnp.sum(e, axis=1) + eg
    num = jnp.sum(e * W3, axis=1) + eg * vg_ref[0]
    out_ref[0] = num / denom


def _attend_call(g2, gx2, xyz_q, cvec, lgl, vg, wdg, d_w1, d_b1, d_w2, d_b2,
                 g_w2, g_b2):
    B, NQ, _ = xyz_q.shape
    DIM = wdg.shape[0]
    nt = NQ // TQ_ATT
    R = TQ_ATT * NNEIGH
    full = lambda s: pl.BlockSpec(s, lambda b, t: tuple(0 for _ in s))
    return pl.pallas_call(
        _attend_body,
        grid=(B, nt),
        in_specs=[
            pl.BlockSpec((R, TBLW), lambda b, t: (b * nt + t, 0)),
            pl.BlockSpec((R, XYZW), lambda b, t: (b * nt + t, 0)),
            pl.BlockSpec((1, TQ_ATT, 3), lambda b, t: (b, t, 0)),
            pl.BlockSpec((1, 1, DIM), lambda b, t: (b, 0, 0)),
            pl.BlockSpec((1, 1, DIM), lambda b, t: (b, 0, 0)),
            pl.BlockSpec((1, 1, DIM), lambda b, t: (b, 0, 0)),
            full((DIM, DIM)), full((3, DIM)), full((1, DIM)),
            full((DIM, DIM)), full((1, DIM)), full((DIM, DIM)),
            full((1, DIM)),
        ],
        out_specs=pl.BlockSpec((1, TQ_ATT, DIM), lambda b, t: (b, t, 0)),
        out_shape=jax.ShapeDtypeStruct((B, NQ, DIM), jnp.float32),
    )(g2, gx2, xyz_q, cvec, lgl, vg, wdg, d_w1, d_b1, d_w2, d_b2, g_w2, g_b2)


def kernel(xyz_q, lat_rep, xyz, points, W_qs, W_ks, W_vs, W_kg, W_vg,
           d_w1, d_b1, d_w2, d_b2, g_w1, g_b1, g_w2, g_b2):
    B, NQ, _ = xyz_q.shape
    N = xyz.shape[1]
    DIM = W_qs.shape[1]
    r2 = lambda v: v.reshape(1, DIM)

    table, cvec, lgl, vg, wdg, d_w2b, g_w2b = _prep_call(
        points, lat_rep, W_qs, W_ks, W_vs, W_kg, W_vg, r2(d_b2),
        g_w1, r2(g_b1), g_w2, r2(g_b2), d_w2)
    xyzT = xyz.transpose(0, 2, 1)
    xyzt = jnp.pad(xyz, ((0, 0), (0, 0), (0, XYZW - 3))).reshape(B * N, XYZW)
    r3 = lambda a: a.reshape(B, 1, DIM)
    cvec3, lgl3, vg3 = r3(cvec), r3(lgl), r3(vg)

    hb = B // 2
    outs = []
    gidx_h = [
        _topk_call(xyz_q[h * hb:(h + 1) * hb], xyzT[h * hb:(h + 1) * hb],
                   boff=h * hb).reshape(-1)
        for h in range(2)
    ]
    for h in range(2):
        s = slice(h * hb, (h + 1) * hb)
        g = _gather_call(table, gidx_h[h], TBLW, jnp.int32, True)
        gx = _gather_call(xyzt, gidx_h[h], XYZW, jnp.float32, False)
        outs.append(_attend_call(
            g, gx, xyz_q[s], cvec3[s], lgl3[s], vg3[s], wdg,
            d_w1, r2(d_b1), d_w2b, r2(d_b2), g_w2b, r2(g_b2)))
    return jnp.concatenate(outs, axis=0)

# --- scband reference (transcript-rebuilt; emitter-appended) ---
"""Pipeline reference for scband-cross-transformer-block-39213051412830 (READ-ONLY COPY).

The authoritative reference and input builder live on the scoring server;
editing this copy changes nothing except your own understanding.
"""

import jax, jax.numpy as jnp
import numpy as np

DIM_INP = 256
DIM = 256
NNEIGH = 16
B, NQ, N = 4, 2048, 2048


def square_distance(src, dst):
    return (jnp.sum(src ** 2, -1)[:, :, None] + jnp.sum(dst ** 2, -1)[:, None, :]
            - 2.0 * jnp.einsum('bnc,bmc->bnm', src, dst))


def index_points(points, idx):
    # points: [B, N, C], idx: [B, S, K] -> [B, S, K, C]
    return jax.vmap(lambda p, i: p[i])(points, idx)


def setup_inputs(seed: int = 0):
    key = jax.random.key(seed)
    ks = jax.random.split(key, 20)
    s = 0.02
    return {
        'xyz_q': jax.random.normal(ks[0], (B, NQ, 3), jnp.float32),
        'lat_rep': jax.random.normal(ks[1], (B, DIM_INP), jnp.float32),
        'xyz': jax.random.normal(ks[2], (B, N, 3), jnp.float32),
        'points': jax.random.normal(ks[3], (B, N, DIM_INP), jnp.float32),
        'W_qs': jax.random.normal(ks[4], (DIM_INP, DIM), jnp.float32) * s,
        'W_ks': jax.random.normal(ks[5], (DIM_INP, DIM), jnp.float32) * s,
        'W_vs': jax.random.normal(ks[6], (DIM_INP, DIM), jnp.float32) * s,
        'W_kg': jax.random.normal(ks[7], (DIM_INP, DIM), jnp.float32) * s,
        'W_vg': jax.random.normal(ks[8], (DIM_INP, DIM), jnp.float32) * s,
        'd_w1': jax.random.normal(ks[9], (3, DIM), jnp.float32) * s,
        'd_b1': jnp.zeros((DIM,), jnp.float32),
        'd_w2': jax.random.normal(ks[10], (DIM, DIM), jnp.float32) * s,
        'd_b2': jnp.zeros((DIM,), jnp.float32),
        'g_w1': jax.random.normal(ks[11], (DIM, DIM), jnp.float32) * s,
        'g_b1': jnp.zeros((DIM,), jnp.float32),
        'g_w2': jax.random.normal(ks[12], (DIM, DIM), jnp.float32) * s,
        'g_b2': jnp.zeros((DIM,), jnp.float32),
    }


def _forward(xyz_q, lat_rep, xyz, points, W_qs, W_ks, W_vs, W_kg, W_vg,
             d_w1, d_b1, d_w2, d_b2, g_w1, g_b1, g_w2, g_b2):
    b, nQ, _ = xyz_q.shape
    # no_grad kNN
    dists = square_distance(xyz_q, xyz)
    knn_idx = jax.lax.stop_gradient(jnp.argsort(dists, axis=-1)[:, :, :NNEIGH])

    # lat_rep is 2D -> global tokens broadcast over queries
    q_attn = jnp.broadcast_to((lat_rep @ W_qs)[:, None, :], (b, nQ, DIM))
    k_global = jnp.broadcast_to((lat_rep @ W_kg)[:, None, None, :], (b, nQ, 1, DIM))
    v_global = jnp.broadcast_to((lat_rep @ W_vg)[:, None, None, :], (b, nQ, 1, DIM))

    k_attn = index_points(points @ W_ks, knn_idx)
    k_attn = jnp.concatenate([k_attn, k_global], axis=2)
    v_attn = index_points(points @ W_vs, knn_idx)
    v_attn = jnp.concatenate([v_attn, v_global], axis=2)

    xyz_g = index_points(xyz, knn_idx)
    rel = xyz_q[:, :, None, :] - xyz_g

    def fc_delta(x):
        h = jax.nn.relu(x @ d_w1 + d_b1)
        return h @ d_w2 + d_b2

    pos = fc_delta(rel)
    pos = jnp.concatenate([pos, jnp.zeros((b, nQ, 1, DIM), pos.dtype)], axis=2)
    # separate_delta=True -> second (identical-weight) delta encoding
    pos2 = fc_delta(rel)
    pos2 = jnp.concatenate([pos2, jnp.zeros((b, nQ, 1, DIM), pos2.dtype)], axis=2)

    def fc_gamma(x):
        h = jax.nn.relu(x @ g_w1 + g_b1)
        return h @ g_w2 + g_b2

    attn = fc_gamma(q_attn[:, :, None, :] - k_attn + pos)
    attn = jax.nn.softmax(attn, axis=-2)
    res = jnp.einsum('bmnf,bmnf->bmf', attn, v_attn + pos2)
    # reduce_dim=True -> no output projection
    return res


def reference(xyz_q, lat_rep, xyz, points, W_qs, W_ks, W_vs, W_kg, W_vg,
              d_w1, d_b1, d_w2, d_b2, g_w1, g_b1, g_w2, g_b2):
    return _forward(xyz_q, lat_rep, xyz, points, W_qs, W_ks, W_vs, W_kg, W_vg,
                    d_w1, d_b1, d_w2, d_b2, g_w1, g_b1, g_w2, g_b2)

if __name__ == "__main__":
    import jax
    _d = setup_inputs()
    print(jax.jit(kernel)(*tuple(_d.values())))

</pallas_src>

<mosaic_0001>
#map = affine_map<(d0, d1) -> (0, 0)>
#map1 = affine_map<(d0, d1) -> (0)>
module attributes {stable_mosaic.version = 14 : i64} {
  func.func @_gather_body(%arg0: i32, %arg1: i32, %arg2: memref<8192x16xf32, #tpu.memory_space<hbm>>, %arg3: memref<65536xi32, #tpu.memory_space<hbm>>, %arg4: memref<65536x16xf32, #tpu.memory_space<hbm>>, %arg5: memref<2048xi32, #tpu.memory_space<vmem>>, %arg6: memref<128x16xf32, #tpu.memory_space<vmem>>, %arg7: memref<!tpu.dma_semaphore, #tpu.memory_space<semaphore_mem>>) attributes {dimension_semantics = [#tpu.dimension_semantics<core_parallel>, #tpu.dimension_semantics<subcore_parallel>], iteration_bounds = array<i64: 2, 16>, scalar_prefetch = 0 : i64, scratch_operands = 3 : i64, tpu.core_type = #tpu.core_type<sc_vector_subcore>, window_params = [{transform_indices = #map}, {transform_indices = #map1}, {transform_indices = #map}]} {
    %mul3A = arith.constant 2 : i32
    %mul3A_0 = arith.muli %arg1, %mul3A : i32
    %add3A = arith.addi %mul3A_0, %arg0 : i32
    %mul3A_1 = arith.constant 2048 : i32
    %mul3A_2 = arith.muli %add3A, %mul3A_1 : i32
    "tpu.region"() ({
      %run_scoped3A = tpu.sem_alloc : memref<!tpu.dma_semaphore, #tpu.memory_space<semaphore_mem>>
      %dma_start3A = tpu.memref_slice %arg3[%mul3A_2] : memref<65536xi32, #tpu.memory_space<hbm>> -> memref<2048xi32, #tpu.memory_space<hbm>>
      %dma_start3A_8 = tpu.memref_slice %arg3[%mul3A_2] : memref<65536xi32, #tpu.memory_space<hbm>> -> memref<2048xi32, #tpu.memory_space<hbm>>
      tpu.enqueue_dma source(%dma_start3A_8 : memref<2048xi32, #tpu.memory_space<hbm>>) target(%arg5 : memref<2048xi32, #tpu.memory_space<vmem>>) target_semaphore(%run_scoped3A : memref<!tpu.dma_semaphore, #tpu.memory_space<semaphore_mem>>)
      %dma_wait3A = tpu.memref_slice %arg3[%mul3A_2] : memref<65536xi32, #tpu.memory_space<hbm>> -> memref<2048xi32, #tpu.memory_space<hbm>>
      %dma_wait3A_9 = tpu.memref_slice %arg3[%mul3A_2] : memref<65536xi32, #tpu.memory_space<hbm>> -> memref<2048xi32, #tpu.memory_space<hbm>>
      tpu.wait_dma2 semaphore(%run_scoped3A : memref<!tpu.dma_semaphore, #tpu.memory_space<semaphore_mem>>) src(%dma_wait3A_9 : memref<2048xi32, #tpu.memory_space<hbm>>) dst(%arg5 : memref<2048xi32, #tpu.memory_space<vmem>>)
      tpu.yield
    }) : () -> ()
    %scan3A = arith.constant 0 : i32
    %scan3A_3 = arith.constant 0 : i32
    %scan3A_4 = arith.constant 16 : i32
    %scan3A_5 = arith.addi %scan3A_3, %scan3A_4 : i32
    %scan3A_6 = arith.constant 1 : i32
    scf.for %scan3A_8 = %scan3A_3 to %scan3A_5 step %scan3A_6  : i32 {
      %mul3A_9 = arith.constant 128 : i32
      %mul3A_10 = arith.muli %scan3A_8, %mul3A_9 : i32
      %add3A_11 = arith.addi %mul3A_2, %mul3A_10 : i32
      %multiple_of3A = tpu.assume_multiple %add3A_11, 8 : i32
      %mul3A_12 = arith.constant 128 : i32
      %mul3A_13 = arith.muli %scan3A_8, %mul3A_12 : i32
      %multiple_of3A_14 = tpu.assume_multiple %mul3A_13, 8 : i32
      %dma_start3A = tpu.memref_slice %arg5[%multiple_of3A_14] : memref<2048xi32, #tpu.memory_space<vmem>> -> memref<128xi32, #tpu.memory_space<vmem>>
      %dma_start3A_15 = arith.constant 0 : i32
      %dma_start3A_16 = arith.constant 0 : i32
      %dma_start3A_17 = tpu.memref_slice %arg2[%dma_start3A_15, %dma_start3A_16] : memref<8192x16xf32, #tpu.memory_space<hbm>> -> memref<8192x16xf32, #tpu.memory_space<hbm>>
      tpu.enqueue_indirect_dma source(%dma_start3A_17 : memref<8192x16xf32, #tpu.memory_space<hbm>>) target(%arg6 : memref<128x16xf32, #tpu.memory_space<vmem>>) offsets(%dma_start3A : memref<128xi32, #tpu.memory_space<vmem>>) semaphore(%arg7 : memref<!tpu.dma_semaphore, #tpu.memory_space<semaphore_mem>>)
      %dma_wait3A = tpu.memref_slice %arg5[%multiple_of3A_14] : memref<2048xi32, #tpu.memory_space<vmem>> -> memref<128xi32, #tpu.memory_space<vmem>>
      %dma_wait3A_18 = arith.constant 0 : i32
      %dma_wait3A_19 = arith.constant 0 : i32
      %dma_wait3A_20 = tpu.memref_slice %arg2[%dma_wait3A_18, %dma_wait3A_19] : memref<8192x16xf32, #tpu.memory_space<hbm>> -> memref<8192x16xf32, #tpu.memory_space<hbm>>
      tpu.wait_indirect_dma semaphore(%arg7 : memref<!tpu.dma_semaphore, #tpu.memory_space<semaphore_mem>>) src(%dma_wait3A_20 : memref<8192x16xf32, #tpu.memory_space<hbm>>) dst(%arg6 : memref<128x16xf32, #tpu.memory_space<vmem>>)
      "tpu.region"() ({
        %run_scoped3A = tpu.sem_alloc : memref<!tpu.dma_semaphore, #tpu.memory_space<semaphore_mem>>
        %dma_start3A_21 = arith.constant 0 : i32
        %dma_start3A_22 = tpu.memref_slice %arg4[%multiple_of3A, %dma_start3A_21] : memref<65536x16xf32, #tpu.memory_space<hbm>> -> memref<128x16xf32, #tpu.memory_space<hbm>>
        %dma_start3A_23 = arith.constant 0 : i32
        %dma_start3A_24 = tpu.memref_slice %arg4[%multiple_of3A, %dma_start3A_23] : memref<65536x16xf32, #tpu.memory_space<hbm>> -> memref<128x16xf32, #tpu.memory_space<hbm>>
        tpu.enqueue_dma source(%arg6 : memref<128x16xf32, #tpu.memory_space<vmem>>) target(%dma_start3A_24 : memref<128x16xf32, #tpu.memory_space<hbm>>) target_semaphore(%run_scoped3A : memref<!tpu.dma_semaphore, #tpu.memory_space<semaphore_mem>>)
        %dma_wait3A_25 = arith.constant 0 : i32
        %dma_wait3A_26 = tpu.memref_slice %arg4[%multiple_of3A, %dma_wait3A_25] : memref<65536x16xf32, #tpu.memory_space<hbm>> -> memref<128x16xf32, #tpu.memory_space<hbm>>
        %dma_wait3A_27 = arith.constant 0 : i32
        %dma_wait3A_28 = tpu.memref_slice %arg4[%multiple_of3A, %dma_wait3A_27] : memref<65536x16xf32, #tpu.memory_space<hbm>> -> memref<128x16xf32, #tpu.memory_space<hbm>>
        tpu.wait_dma2 semaphore(%run_scoped3A : memref<!tpu.dma_semaphore, #tpu.memory_space<semaphore_mem>>) src(%arg6 : memref<128x16xf32, #tpu.memory_space<vmem>>) dst(%dma_wait3A_28 : memref<128x16xf32, #tpu.memory_space<hbm>>)
        tpu.yield
      }) : () -> ()
    }
    %scan3A_7 = arith.constant 16 : i32
    return
  }
}

#map = affine_map<(d0, d1) -> (0, 0)>
#map1 = affine_map<(d0, d1) -> (0)>
module attributes {stable_mosaic.version = 14 : i64} {
  func.func @_gather_body(%arg0: i32, %arg1: i32, %arg2: memref<8192x256xi32, #tpu.memory_space<hbm>>, %arg3: memref<65536xi32, #tpu.memory_space<hbm>>, %arg4: memref<65536x256xi32, #tpu.memory_space<hbm>>, %arg5: memref<2048xi32, #tpu.memory_space<vmem>>, %arg6: memref<128x256xi32, #tpu.memory_space<vmem>>, %arg7: memref<!tpu.dma_semaphore, #tpu.memory_space<semaphore_mem>>) attributes {dimension_semantics = [#tpu.dimension_semantics<core_parallel>, #tpu.dimension_semantics<subcore_parallel>], iteration_bounds = array<i64: 2, 16>, scalar_prefetch = 0 : i64, scratch_operands = 3 : i64, tpu.core_type = #tpu.core_type<sc_vector_subcore>, window_params = [{transform_indices = #map}, {transform_indices = #map1}, {transform_indices = #map}]} {
    %mul3A = arith.constant 2 : i32
    %mul3A_0 = arith.muli %arg1, %mul3A : i32
    %add3A = arith.addi %mul3A_0, %arg0 : i32
    %mul3A_1 = arith.constant 2048 : i32
    %mul3A_2 = arith.muli %add3A, %mul3A_1 : i32
    "tpu.region"() ({
      %run_scoped3A = tpu.sem_alloc : memref<!tpu.dma_semaphore, #tpu.memory_space<semaphore_mem>>
      %dma_start3A = tpu.memref_slice %arg3[%mul3A_2] : memref<65536xi32, #tpu.memory_space<hbm>> -> memref<2048xi32, #tpu.memory_space<hbm>>
      %dma_start3A_8 = tpu.memref_slice %arg3[%mul3A_2] : memref<65536xi32, #tpu.memory_space<hbm>> -> memref<2048xi32, #tpu.memory_space<hbm>>
      tpu.enqueue_dma source(%dma_start3A_8 : memref<2048xi32, #tpu.memory_space<hbm>>) target(%arg5 : memref<2048xi32, #tpu.memory_space<vmem>>) target_semaphore(%run_scoped3A : memref<!tpu.dma_semaphore, #tpu.memory_space<semaphore_mem>>)
      %dma_wait3A = tpu.memref_slice %arg3[%mul3A_2] : memref<65536xi32, #tpu.memory_space<hbm>> -> memref<2048xi32, #tpu.memory_space<hbm>>
      %dma_wait3A_9 = tpu.memref_slice %arg3[%mul3A_2] : memref<65536xi32, #tpu.memory_space<hbm>> -> memref<2048xi32, #tpu.memory_space<hbm>>
      tpu.wait_dma2 semaphore(%run_scoped3A : memref<!tpu.dma_semaphore, #tpu.memory_space<semaphore_mem>>) src(%dma_wait3A_9 : memref<2048xi32, #tpu.memory_space<hbm>>) dst(%arg5 : memref<2048xi32, #tpu.memory_space<vmem>>)
      tpu.yield
    }) : () -> ()
    %scan3A = arith.constant 0 : i32
    %scan3A_3 = arith.constant 0 : i32
    %scan3A_4 = arith.constant 16 : i32
    %scan3A_5 = arith.addi %scan3A_3, %scan3A_4 : i32
    %scan3A_6 = arith.constant 1 : i32
    scf.for %scan3A_8 = %scan3A_3 to %scan3A_5 step %scan3A_6  : i32 {
      %mul3A_9 = arith.constant 128 : i32
      %mul3A_10 = arith.muli %scan3A_8, %mul3A_9 : i32
      %add3A_11 = arith.addi %mul3A_2, %mul3A_10 : i32
      %multiple_of3A = tpu.assume_multiple %add3A_11, 8 : i32
      %mul3A_12 = arith.constant 128 : i32
      %mul3A_13 = arith.muli %scan3A_8, %mul3A_12 : i32
      %multiple_of3A_14 = tpu.assume_multiple %mul3A_13, 8 : i32
      %dma_start3A = tpu.memref_slice %arg5[%multiple_of3A_14] : memref<2048xi32, #tpu.memory_space<vmem>> -> memref<128xi32, #tpu.memory_space<vmem>>
      %dma_start3A_15 = arith.constant 0 : i32
      %dma_start3A_16 = arith.constant 0 : i32
      %dma_start3A_17 = tpu.memref_slice %arg2[%dma_start3A_15, %dma_start3A_16] : memref<8192x256xi32, #tpu.memory_space<hbm>> -> memref<8192x256xi32, #tpu.memory_space<hbm>>
      tpu.enqueue_indirect_dma source(%dma_start3A_17 : memref<8192x256xi32, #tpu.memory_space<hbm>>) target(%arg6 : memref<128x256xi32, #tpu.memory_space<vmem>>) offsets(%dma_start3A : memref<128xi32, #tpu.memory_space<vmem>>) semaphore(%arg7 : memref<!tpu.dma_semaphore, #tpu.memory_space<semaphore_mem>>)
      %dma_wait3A = tpu.memref_slice %arg5[%multiple_of3A_14] : memref<2048xi32, #tpu.memory_space<vmem>> -> memref<128xi32, #tpu.memory_space<vmem>>
      %dma_wait3A_18 = arith.constant 0 : i32
      %dma_wait3A_19 = arith.constant 0 : i32
      %dma_wait3A_20 = tpu.memref_slice %arg2[%dma_wait3A_18, %dma_wait3A_19] : memref<8192x256xi32, #tpu.memory_space<hbm>> -> memref<8192x256xi32, #tpu.memory_space<hbm>>
      tpu.wait_indirect_dma semaphore(%arg7 : memref<!tpu.dma_semaphore, #tpu.memory_space<semaphore_mem>>) src(%dma_wait3A_20 : memref<8192x256xi32, #tpu.memory_space<hbm>>) dst(%arg6 : memref<128x256xi32, #tpu.memory_space<vmem>>)
      "tpu.region"() ({
        %run_scoped3A = tpu.sem_alloc : memref<!tpu.dma_semaphore, #tpu.memory_space<semaphore_mem>>
        %dma_start3A_21 = arith.constant 0 : i32
        %dma_start3A_22 = tpu.memref_slice %arg4[%multiple_of3A, %dma_start3A_21] : memref<65536x256xi32, #tpu.memory_space<hbm>> -> memref<128x256xi32, #tpu.memory_space<hbm>>
        %dma_start3A_23 = arith.constant 0 : i32
        %dma_start3A_24 = tpu.memref_slice %arg4[%multiple_of3A, %dma_start3A_23] : memref<65536x256xi32, #tpu.memory_space<hbm>> -> memref<128x256xi32, #tpu.memory_space<hbm>>
        tpu.enqueue_dma source(%arg6 : memref<128x256xi32, #tpu.memory_space<vmem>>) target(%dma_start3A_24 : memref<128x256xi32, #tpu.memory_space<hbm>>) target_semaphore(%run_scoped3A : memref<!tpu.dma_semaphore, #tpu.memory_space<semaphore_mem>>)
        %dma_wait3A_25 = arith.constant 0 : i32
        %dma_wait3A_26 = tpu.memref_slice %arg4[%multiple_of3A, %dma_wait3A_25] : memref<65536x256xi32, #tpu.memory_space<hbm>> -> memref<128x256xi32, #tpu.memory_space<hbm>>
        %dma_wait3A_27 = arith.constant 0 : i32
        %dma_wait3A_28 = tpu.memref_slice %arg4[%multiple_of3A, %dma_wait3A_27] : memref<65536x256xi32, #tpu.memory_space<hbm>> -> memref<128x256xi32, #tpu.memory_space<hbm>>
        tpu.wait_dma2 semaphore(%run_scoped3A : memref<!tpu.dma_semaphore, #tpu.memory_space<semaphore_mem>>) src(%arg6 : memref<128x256xi32, #tpu.memory_space<vmem>>) dst(%dma_wait3A_28 : memref<128x256xi32, #tpu.memory_space<hbm>>)
        tpu.yield
      }) : () -> ()
    }
    %scan3A_7 = arith.constant 16 : i32
    return
  }
}

#map = affine_map<(d0, d1) -> (0, 0)>
#map1 = affine_map<(d0, d1) -> (0)>
module attributes {stable_mosaic.version = 14 : i64} {
  func.func @_gather_body(%arg0: i32, %arg1: i32, %arg2: memref<8192x256xi32, #tpu.memory_space<hbm>>, %arg3: memref<65536xi32, #tpu.memory_space<hbm>>, %arg4: memref<65536x256xi32, #tpu.memory_space<hbm>>, %arg5: memref<2048xi32, #tpu.memory_space<vmem>>, %arg6: memref<128x256xi32, #tpu.memory_space<vmem>>, %arg7: memref<!tpu.dma_semaphore, #tpu.memory_space<semaphore_mem>>) attributes {dimension_semantics = [#tpu.dimension_semantics<core_parallel>, #tpu.dimension_semantics<subcore_parallel>], iteration_bounds = array<i64: 2, 16>, scalar_prefetch = 0 : i64, scratch_operands = 3 : i64, tpu.core_type = #tpu.core_type<sc_vector_subcore>, window_params = [{transform_indices = #map}, {transform_indices = #map1}, {transform_indices = #map}]} {
    %mul3A = arith.constant 2 : i32
    %mul3A_0 = arith.muli %arg1, %mul3A : i32
    %add3A = arith.addi %mul3A_0, %arg0 : i32
    %mul3A_1 = arith.constant 2048 : i32
    %mul3A_2 = arith.muli %add3A, %mul3A_1 : i32
    "tpu.region"() ({
      %run_scoped3A = tpu.sem_alloc : memref<!tpu.dma_semaphore, #tpu.memory_space<semaphore_mem>>
      %dma_start3A = tpu.memref_slice %arg3[%mul3A_2] : memref<65536xi32, #tpu.memory_space<hbm>> -> memref<2048xi32, #tpu.memory_space<hbm>>
      %dma_start3A_8 = tpu.memref_slice %arg3[%mul3A_2] : memref<65536xi32, #tpu.memory_space<hbm>> -> memref<2048xi32, #tpu.memory_space<hbm>>
      tpu.enqueue_dma source(%dma_start3A_8 : memref<2048xi32, #tpu.memory_space<hbm>>) target(%arg5 : memref<2048xi32, #tpu.memory_space<vmem>>) target_semaphore(%run_scoped3A : memref<!tpu.dma_semaphore, #tpu.memory_space<semaphore_mem>>)
      %dma_wait3A = tpu.memref_slice %arg3[%mul3A_2] : memref<65536xi32, #tpu.memory_space<hbm>> -> memref<2048xi32, #tpu.memory_space<hbm>>
      %dma_wait3A_9 = tpu.memref_slice %arg3[%mul3A_2] : memref<65536xi32, #tpu.memory_space<hbm>> -> memref<2048xi32, #tpu.memory_space<hbm>>
      tpu.wait_dma2 semaphore(%run_scoped3A : memref<!tpu.dma_semaphore, #tpu.memory_space<semaphore_mem>>) src(%dma_wait3A_9 : memref<2048xi32, #tpu.memory_space<hbm>>) dst(%arg5 : memref<2048xi32, #tpu.memory_space<vmem>>)
      tpu.yield
    }) : () -> ()
    %scan3A = arith.constant 0 : i32
    %scan3A_3 = arith.constant 0 : i32
    %scan3A_4 = arith.constant 16 : i32
    %scan3A_5 = arith.addi %scan3A_3, %scan3A_4 : i32
    %scan3A_6 = arith.constant 1 : i32
    scf.for %scan3A_8 = %scan3A_3 to %scan3A_5 step %scan3A_6  : i32 {
      %mul3A_9 = arith.constant 128 : i32
      %mul3A_10 = arith.muli %scan3A_8, %mul3A_9 : i32
      %add3A_11 = arith.addi %mul3A_2, %mul3A_10 : i32
      %multiple_of3A = tpu.assume_multiple %add3A_11, 8 : i32
      %mul3A_12 = arith.constant 128 : i32
      %mul3A_13 = arith.muli %scan3A_8, %mul3A_12 : i32
      %multiple_of3A_14 = tpu.assume_multiple %mul3A_13, 8 : i32
      %dma_start3A = tpu.memref_slice %arg5[%multiple_of3A_14] : memref<2048xi32, #tpu.memory_space<vmem>> -> memref<128xi32, #tpu.memory_space<vmem>>
      %dma_start3A_15 = arith.constant 0 : i32
      %dma_start3A_16 = arith.constant 0 : i32
      %dma_start3A_17 = tpu.memref_slice %arg2[%dma_start3A_15, %dma_start3A_16] : memref<8192x256xi32, #tpu.memory_space<hbm>> -> memref<8192x256xi32, #tpu.memory_space<hbm>>
      tpu.enqueue_indirect_dma source(%dma_start3A_17 : memref<8192x256xi32, #tpu.memory_space<hbm>>) target(%arg6 : memref<128x256xi32, #tpu.memory_space<vmem>>) offsets(%dma_start3A : memref<128xi32, #tpu.memory_space<vmem>>) semaphore(%arg7 : memref<!tpu.dma_semaphore, #tpu.memory_space<semaphore_mem>>)
      %dma_wait3A = tpu.memref_slice %arg5[%multiple_of3A_14] : memref<2048xi32, #tpu.memory_space<vmem>> -> memref<128xi32, #tpu.memory_space<vmem>>
      %dma_wait3A_18 = arith.constant 0 : i32
      %dma_wait3A_19 = arith.constant 0 : i32
      %dma_wait3A_20 = tpu.memref_slice %arg2[%dma_wait3A_18, %dma_wait3A_19] : memref<8192x256xi32, #tpu.memory_space<hbm>> -> memref<8192x256xi32, #tpu.memory_space<hbm>>
      tpu.wait_indirect_dma semaphore(%arg7 : memref<!tpu.dma_semaphore, #tpu.memory_space<semaphore_mem>>) src(%dma_wait3A_20 : memref<8192x256xi32, #tpu.memory_space<hbm>>) dst(%arg6 : memref<128x256xi32, #tpu.memory_space<vmem>>)
      "tpu.region"() ({
        %run_scoped3A = tpu.sem_alloc : memref<!tpu.dma_semaphore, #tpu.memory_space<semaphore_mem>>
        %dma_start3A_21 = arith.constant 0 : i32
        %dma_start3A_22 = tpu.memref_slice %arg4[%multiple_of3A, %dma_start3A_21] : memref<65536x256xi32, #tpu.memory_space<hbm>> -> memref<128x256xi32, #tpu.memory_space<hbm>>
        %dma_start3A_23 = arith.constant 0 : i32
        %dma_start3A_24 = tpu.memref_slice %arg4[%multiple_of3A, %dma_start3A_23] : memref<65536x256xi32, #tpu.memory_space<hbm>> -> memref<128x256xi32, #tpu.memory_space<hbm>>
        tpu.enqueue_dma source(%arg6 : memref<128x256xi32, #tpu.memory_space<vmem>>) target(%dma_start3A_24 : memref<128x256xi32, #tpu.memory_space<hbm>>) target_semaphore(%run_scoped3A : memref<!tpu.dma_semaphore, #tpu.memory_space<semaphore_mem>>)
        %dma_wait3A_25 = arith.constant 0 : i32
        %dma_wait3A_26 = tpu.memref_slice %arg4[%multiple_of3A, %dma_wait3A_25] : memref<65536x256xi32, #tpu.memory_space<hbm>> -> memref<128x256xi32, #tpu.memory_space<hbm>>
        %dma_wait3A_27 = arith.constant 0 : i32
        %dma_wait3A_28 = tpu.memref_slice %arg4[%multiple_of3A, %dma_wait3A_27] : memref<65536x256xi32, #tpu.memory_space<hbm>> -> memref<128x256xi32, #tpu.memory_space<hbm>>
        tpu.wait_dma2 semaphore(%run_scoped3A : memref<!tpu.dma_semaphore, #tpu.memory_space<semaphore_mem>>) src(%arg6 : memref<128x256xi32, #tpu.memory_space<vmem>>) dst(%dma_wait3A_28 : memref<128x256xi32, #tpu.memory_space<hbm>>)
        tpu.yield
      }) : () -> ()
    }
    %scan3A_7 = arith.constant 16 : i32
    return
  }
}

#map = affine_map<(d0, d1) -> (0, 0)>
#map1 = affine_map<(d0, d1) -> (0)>
module attributes {stable_mosaic.version = 14 : i64} {
  func.func @_gather_body(%arg0: i32, %arg1: i32, %arg2: memref<8192x16xf32, #tpu.memory_space<hbm>>, %arg3: memref<65536xi32, #tpu.memory_space<hbm>>, %arg4: memref<65536x16xf32, #tpu.memory_space<hbm>>, %arg5: memref<2048xi32, #tpu.memory_space<vmem>>, %arg6: memref<128x16xf32, #tpu.memory_space<vmem>>, %arg7: memref<!tpu.dma_semaphore, #tpu.memory_space<semaphore_mem>>) attributes {dimension_semantics = [#tpu.dimension_semantics<core_parallel>, #tpu.dimension_semantics<subcore_parallel>], iteration_bounds = array<i64: 2, 16>, scalar_prefetch = 0 : i64, scratch_operands = 3 : i64, tpu.core_type = #tpu.core_type<sc_vector_subcore>, window_params = [{transform_indices = #map}, {transform_indices = #map1}, {transform_indices = #map}]} {
    %mul3A = arith.constant 2 : i32
    %mul3A_0 = arith.muli %arg1, %mul3A : i32
    %add3A = arith.addi %mul3A_0, %arg0 : i32
    %mul3A_1 = arith.constant 2048 : i32
    %mul3A_2 = arith.muli %add3A, %mul3A_1 : i32
    "tpu.region"() ({
      %run_scoped3A = tpu.sem_alloc : memref<!tpu.dma_semaphore, #tpu.memory_space<semaphore_mem>>
      %dma_start3A = tpu.memref_slice %arg3[%mul3A_2] : memref<65536xi32, #tpu.memory_space<hbm>> -> memref<2048xi32, #tpu.memory_space<hbm>>
      %dma_start3A_8 = tpu.memref_slice %arg3[%mul3A_2] : memref<65536xi32, #tpu.memory_space<hbm>> -> memref<2048xi32, #tpu.memory_space<hbm>>
      tpu.enqueue_dma source(%dma_start3A_8 : memref<2048xi32, #tpu.memory_space<hbm>>) target(%arg5 : memref<2048xi32, #tpu.memory_space<vmem>>) target_semaphore(%run_scoped3A : memref<!tpu.dma_semaphore, #tpu.memory_space<semaphore_mem>>)
      %dma_wait3A = tpu.memref_slice %arg3[%mul3A_2] : memref<65536xi32, #tpu.memory_space<hbm>> -> memref<2048xi32, #tpu.memory_space<hbm>>
      %dma_wait3A_9 = tpu.memref_slice %arg3[%mul3A_2] : memref<65536xi32, #tpu.memory_space<hbm>> -> memref<2048xi32, #tpu.memory_space<hbm>>
      tpu.wait_dma2 semaphore(%run_scoped3A : memref<!tpu.dma_semaphore, #tpu.memory_space<semaphore_mem>>) src(%dma_wait3A_9 : memref<2048xi32, #tpu.memory_space<hbm>>) dst(%arg5 : memref<2048xi32, #tpu.memory_space<vmem>>)
      tpu.yield
    }) : () -> ()
    %scan3A = arith.constant 0 : i32
    %scan3A_3 = arith.constant 0 : i32
    %scan3A_4 = arith.constant 16 : i32
    %scan3A_5 = arith.addi %scan3A_3, %scan3A_4 : i32
    %scan3A_6 = arith.constant 1 : i32
    scf.for %scan3A_8 = %scan3A_3 to %scan3A_5 step %scan3A_6  : i32 {
      %mul3A_9 = arith.constant 128 : i32
      %mul3A_10 = arith.muli %scan3A_8, %mul3A_9 : i32
      %add3A_11 = arith.addi %mul3A_2, %mul3A_10 : i32
      %multiple_of3A = tpu.assume_multiple %add3A_11, 8 : i32
      %mul3A_12 = arith.constant 128 : i32
      %mul3A_13 = arith.muli %scan3A_8, %mul3A_12 : i32
      %multiple_of3A_14 = tpu.assume_multiple %mul3A_13, 8 : i32
      %dma_start3A = tpu.memref_slice %arg5[%multiple_of3A_14] : memref<2048xi32, #tpu.memory_space<vmem>> -> memref<128xi32, #tpu.memory_space<vmem>>
      %dma_start3A_15 = arith.constant 0 : i32
      %dma_start3A_16 = arith.constant 0 : i32
      %dma_start3A_17 = tpu.memref_slice %arg2[%dma_start3A_15, %dma_start3A_16] : memref<8192x16xf32, #tpu.memory_space<hbm>> -> memref<8192x16xf32, #tpu.memory_space<hbm>>
      tpu.enqueue_indirect_dma source(%dma_start3A_17 : memref<8192x16xf32, #tpu.memory_space<hbm>>) target(%arg6 : memref<128x16xf32, #tpu.memory_space<vmem>>) offsets(%dma_start3A : memref<128xi32, #tpu.memory_space<vmem>>) semaphore(%arg7 : memref<!tpu.dma_semaphore, #tpu.memory_space<semaphore_mem>>)
      %dma_wait3A = tpu.memref_slice %arg5[%multiple_of3A_14] : memref<2048xi32, #tpu.memory_space<vmem>> -> memref<128xi32, #tpu.memory_space<vmem>>
      %dma_wait3A_18 = arith.constant 0 : i32
      %dma_wait3A_19 = arith.constant 0 : i32
      %dma_wait3A_20 = tpu.memref_slice %arg2[%dma_wait3A_18, %dma_wait3A_19] : memref<8192x16xf32, #tpu.memory_space<hbm>> -> memref<8192x16xf32, #tpu.memory_space<hbm>>
      tpu.wait_indirect_dma semaphore(%arg7 : memref<!tpu.dma_semaphore, #tpu.memory_space<semaphore_mem>>) src(%dma_wait3A_20 : memref<8192x16xf32, #tpu.memory_space<hbm>>) dst(%arg6 : memref<128x16xf32, #tpu.memory_space<vmem>>)
      "tpu.region"() ({
        %run_scoped3A = tpu.sem_alloc : memref<!tpu.dma_semaphore, #tpu.memory_space<semaphore_mem>>
        %dma_start3A_21 = arith.constant 0 : i32
        %dma_start3A_22 = tpu.memref_slice %arg4[%multiple_of3A, %dma_start3A_21] : memref<65536x16xf32, #tpu.memory_space<hbm>> -> memref<128x16xf32, #tpu.memory_space<hbm>>
        %dma_start3A_23 = arith.constant 0 : i32
        %dma_start3A_24 = tpu.memref_slice %arg4[%multiple_of3A, %dma_start3A_23] : memref<65536x16xf32, #tpu.memory_space<hbm>> -> memref<128x16xf32, #tpu.memory_space<hbm>>
        tpu.enqueue_dma source(%arg6 : memref<128x16xf32, #tpu.memory_space<vmem>>) target(%dma_start3A_24 : memref<128x16xf32, #tpu.memory_space<hbm>>) target_semaphore(%run_scoped3A : memref<!tpu.dma_semaphore, #tpu.memory_space<semaphore_mem>>)
        %dma_wait3A_25 = arith.constant 0 : i32
        %dma_wait3A_26 = tpu.memref_slice %arg4[%multiple_of3A, %dma_wait3A_25] : memref<65536x16xf32, #tpu.memory_space<hbm>> -> memref<128x16xf32, #tpu.memory_space<hbm>>
        %dma_wait3A_27 = arith.constant 0 : i32
        %dma_wait3A_28 = tpu.memref_slice %arg4[%multiple_of3A, %dma_wait3A_27] : memref<65536x16xf32, #tpu.memory_space<hbm>> -> memref<128x16xf32, #tpu.memory_space<hbm>>
        tpu.wait_dma2 semaphore(%run_scoped3A : memref<!tpu.dma_semaphore, #tpu.memory_space<semaphore_mem>>) src(%arg6 : memref<128x16xf32, #tpu.memory_space<vmem>>) dst(%dma_wait3A_28 : memref<128x16xf32, #tpu.memory_space<hbm>>)
        tpu.yield
      }) : () -> ()
    }
    %scan3A_7 = arith.constant 16 : i32
    return
  }
}

module attributes {stable_mosaic.version = 14 : i64} {
  func.func @_topk_body(%arg0: i32, %arg1: i32, %arg2: memref<1x256x3xf32, #tpu.memory_space<vmem>>, %arg3: memref<1x3x2048xf32, #tpu.memory_space<vmem>>, %arg4: memref<1x256x16xi32, #tpu.memory_space<vmem>>, %arg5: memref<256x2048xf32, #tpu.memory_space<vmem>>) attributes {dimension_semantics = [#tpu.dimension_semantics<arbitrary>, #tpu.dimension_semantics<arbitrary>], iteration_bounds = array<i64: 2, 8>, scalar_prefetch = 0 : i64, scratch_operands = 1 : i64, tpu.core_type = #tpu.core_type<tc>, window_params = [{transform_indices = @transform_0, window_bounds = array<i64: 1, 256, 3>}, {transform_indices = @transform_1, window_bounds = array<i64: 1, 3, 2048>}, {transform_indices = @transform_2, window_bounds = array<i64: 1, 256, 16>}]} {
    %add3A = arith.constant 0 : i32
    %add3A_0 = arith.addi %arg0, %add3A : i32
    %get3A = arith.constant 0 : index
    %get3A_1 = arith.constant 0 : index
    %get3A_2 = arith.constant 0 : index
    %get3A_3 = vector.load %arg2[%get3A, %get3A_1, %get3A_2] : memref<1x256x3xf32, #tpu.memory_space<vmem>>, vector<1x256x3xf32>
    %get3A_4 = vector.shape_cast %get3A_3 : vector<1x256x3xf32> to vector<256x3xf32>
    %get3A_5 = arith.constant 0 : index
    %get3A_6 = arith.constant 0 : index
    %get3A_7 = arith.constant 0 : index
    %get3A_8 = vector.load %arg3[%get3A_5, %get3A_6, %get3A_7] : memref<1x3x2048xf32, #tpu.memory_space<vmem>>, vector<1x3x2048xf32>
    %get3A_9 = vector.shape_cast %get3A_8 : vector<1x3x2048xf32> to vector<3x2048xf32>
    %mul3A = arith.mulf %get3A_9, %get3A_9 : vector<3x2048xf32>
    %reduce_sum3A = arith.constant dense<0.000000e+00> : vector<2048xf32>
    %reduce_sum3A_10 = vector.multi_reduction <add>, %mul3A, %reduce_sum3A [0] : vector<3x2048xf32> to vector<2048xf32>
    %broadcast_in_dim3A = vector.shape_cast %reduce_sum3A_10 : vector<2048xf32> to vector<1x2048xf32>
    %mul3A_11 = arith.mulf %get3A_4, %get3A_4 : vector<256x3xf32>
    %reduce_sum3A_12 = arith.constant dense<0.000000e+00> : vector<256xf32>
    %reduce_sum3A_13 = vector.multi_reduction <add>, %mul3A_11, %reduce_sum3A_12 [1] : vector<256x3xf32> to vector<256xf32>
    %broadcast_in_dim3A_14 = vector.shape_cast %reduce_sum3A_13 : vector<256xf32> to vector<256x1xf32>
    %dot_general3A = arith.constant dense<0.000000e+00> : vector<256x2048xf32>
    %dot_general3A_15 = tpu.matmul %get3A_4, %get3A_9, %dot_general3A {dimension_numbers = #tpu.dot_dimension_numbers<[1], [0], [0], [1], [0, 0, 1, 1], [], []>, transpose_lhs_hint = false} : vector<256x3xf32>, vector<3x2048xf32>, vector<256x2048xf32> -> vector<256x2048xf32>
    %add3A_16 = vector.broadcast %broadcast_in_dim3A_14 : vector<256x1xf32> to vector<256x2048xf32>
    %add3A_17 = vector.broadcast %broadcast_in_dim3A : vector<1x2048xf32> to vector<256x2048xf32>
    %add3A_18 = arith.addf %add3A_16, %add3A_17 : vector<256x2048xf32>
    %mul3A_19 = arith.constant 2.000000e+00 : f32
    %mul3A_20 = vector.broadcast %mul3A_19 : f32 to vector<256x2048xf32>
    %mul3A_21 = arith.mulf %mul3A_20, %dot_general3A_15 : vector<256x2048xf32>
    %sub3A = arith.subf %add3A_18, %mul3A_21 : vector<256x2048xf32>
    %swap3A = arith.constant 0 : index
    %swap3A_22 = arith.constant 0 : index
    %swap3A_23 = vector.load %arg5[%swap3A, %swap3A_22] : memref<256x2048xf32, #tpu.memory_space<vmem>>, vector<256x2048xf32>
    tpu.vector_store %arg5[%swap3A, %swap3A_22], %sub3A {strides = array<i32>} : memref<256x2048xf32, #tpu.memory_space<vmem>>, vector<256x2048xf32>,
    %scan3A = arith.constant 0 : i32
    %mul3A_24 = arith.constant 256 : i32
    %mul3A_25 = arith.muli %scan3A, %mul3A_24 : i32
    %get3A_26 = arith.index_cast %mul3A_25 : i32 to index
    %get3A_27 = arith.constant 0 : index
    %get3A_28 = vector.load %arg5[%get3A_26, %get3A_27] : memref<256x2048xf32, #tpu.memory_space<vmem>>, vector<256x2048xf32>
    %iota3A = tpu.iota {dimensions = array<i32: 1>} : vector<256x2048xi32>
    %iota3A_29 = tpu.iota {dimensions = array<i32: 1>} : vector<256x16xi32>
    %broadcast_in_dim3A_30 = arith.constant 0 : i32
    %broadcast_in_dim3A_31 = vector.broadcast %broadcast_in_dim3A_30 : i32 to vector<256x16xi32>
    %scan3A_32 = arith.constant 0 : i32
    %scan3A_33 = arith.constant 16 : i32
    %scan3A_34 = arith.addi %scan3A_32, %scan3A_33 : i32
    %scan3A_35 = arith.constant 1 : i32
    %scan3A_36:2 = scf.for %scan3A_51 = %scan3A_32 to %scan3A_34 step %scan3A_35 iter_args(%scan3A_52 = %get3A_28, %scan3A_53 = %broadcast_in_dim3A_31) -> (vector<256x2048xf32>, vector<256x16xi32>)  : i32 {
      %reduce_min3A = arith.constant dense<0x7F800000> : vector<256xf32>
      %reduce_min3A_54 = vector.multi_reduction <minimumf>, %scan3A_52, %reduce_min3A [1] : vector<256x2048xf32> to vector<256xf32>
      %broadcast_in_dim3A_55 = vector.shape_cast %reduce_min3A_54 : vector<256xf32> to vector<256x1xf32>
      %le3A = vector.broadcast %broadcast_in_dim3A_55 : vector<256x1xf32> to vector<256x2048xf32>
      %le3A_56 = arith.cmpf ole, %scan3A_52, %le3A : vector<256x2048xf32>
      %jit3A = arith.constant 2048 : i32
      %broadcast_in_dim3A_57 = vector.broadcast %jit3A : i32 to vector<256x2048xi32>
      %select_n3A = arith.select %le3A_56, %iota3A, %broadcast_in_dim3A_57 : vector<256x2048xi1>, vector<256x2048xi32>
      %reduce_min3A_58 = arith.constant dense<2147483647> : vector<256xi32>
      %reduce_min3A_59 = vector.multi_reduction <minsi>, %select_n3A, %reduce_min3A_58 [1] : vector<256x2048xi32> to vector<256xi32>
      %broadcast_in_dim3A_60 = vector.shape_cast %reduce_min3A_59 : vector<256xi32> to vector<256x1xi32>
      %eq3A = vector.broadcast %scan3A_51 : i32 to vector<256x16xi32>
      %eq3A_61 = arith.cmpi eq, %iota3A_29, %eq3A : vector<256x16xi32>
      %broadcast_in_dim3A_62 = vector.shape_cast %broadcast_in_dim3A_60 : vector<256x1xi32> to vector<256x1xi32>
      %broadcast_in_dim3A_63 = vector.broadcast %broadcast_in_dim3A_62 : vector<256x1xi32> to vector<256x16xi32>
      %select_n3A_64 = arith.select %eq3A_61, %broadcast_in_dim3A_63, %scan3A_53 : vector<256x16xi1>, vector<256x16xi32>
      %eq3A_65 = vector.broadcast %broadcast_in_dim3A_60 : vector<256x1xi32> to vector<256x2048xi32>
      %eq3A_66 = arith.cmpi eq, %iota3A, %eq3A_65 : vector<256x2048xi32>
      %jit3A_67 = arith.constant 3.000000e+38 : f32
      %broadcast_in_dim3A_68 = vector.broadcast %jit3A_67 : f32 to vector<256x2048xf32>
      %select_n3A_69 = arith.select %eq3A_66, %broadcast_in_dim3A_68, %scan3A_52 : vector<256x2048xi1>, vector<256x2048xf32>
      scf.yield %select_n3A_69, %select_n3A_64 : vector<256x2048xf32>, vector<256x16xi32>
    }
    %scan3A_37 = arith.constant 16 : i32
    %mul3A_38 = arith.constant 2048 : i32
    %mul3A_39 = arith.muli %add3A_0, %mul3A_38 : i32
    %add3A_40 = vector.broadcast %mul3A_39 : i32 to vector<256x16xi32>
    %add3A_41 = arith.addi %scan3A_36#1, %add3A_40 : vector<256x16xi32>
    %mul3A_42 = arith.constant 256 : i32
    %mul3A_43 = arith.muli %scan3A, %mul3A_42 : i32
    %swap3A_44 = arith.constant 0 : index
    %swap3A_45 = arith.index_cast %mul3A_43 : i32 to index
    %swap3A_46 = arith.constant 0 : index
    %swap3A_47 = vector.load %arg4[%swap3A_44, %swap3A_45, %swap3A_46] : memref<1x256x16xi32, #tpu.memory_space<vmem>>, vector<1x256x16xi32>
    %swap3A_48 = vector.shape_cast %swap3A_47 : vector<1x256x16xi32> to vector<256x16xi32>
    %swap3A_49 = vector.shape_cast %add3A_41 : vector<256x16xi32> to vector<1x256x16xi32>
    tpu.vector_store %arg4[%swap3A_44, %swap3A_45, %swap3A_46], %swap3A_49 {strides = array<i32>} : memref<1x256x16xi32, #tpu.memory_space<vmem>>, vector<1x256x16xi32>,
    %scan3A_50 = arith.constant 1 : i32
    return
  }
  func.func @transform_0(%arg0: i32, %arg1: i32) -> (i32, i32, i32) {
    %c0_i32 = arith.constant 0 : i32
    %c0_i32_0 = arith.constant 0 : i32
    return %arg0, %arg1, %c0_i32 : i32, i32, i32
  }
  func.func @transform_1(%arg0: i32, %arg1: i32) -> (i32, i32, i32) {
    %c0_i32 = arith.constant 0 : i32
    %c0_i32_0 = arith.constant 0 : i32
    %c0_i32_1 = arith.constant 0 : i32
    return %arg0, %c0_i32, %c0_i32_0 : i32, i32, i32
  }
  func.func @transform_2(%arg0: i32, %arg1: i32) -> (i32, i32, i32) {
    %c0_i32 = arith.constant 0 : i32
    %c0_i32_0 = arith.constant 0 : i32
    return %arg0, %arg1, %c0_i32 : i32, i32, i32
  }
}

module attributes {stable_mosaic.version = 14 : i64} {
  func.func @_topk_body(%arg0: i32, %arg1: i32, %arg2: memref<1x256x3xf32, #tpu.memory_space<vmem>>, %arg3: memref<1x3x2048xf32, #tpu.memory_space<vmem>>, %arg4: memref<1x256x16xi32, #tpu.memory_space<vmem>>, %arg5: memref<256x2048xf32, #tpu.memory_space<vmem>>) attributes {dimension_semantics = [#tpu.dimension_semantics<arbitrary>, #tpu.dimension_semantics<arbitrary>], iteration_bounds = array<i64: 2, 8>, scalar_prefetch = 0 : i64, scratch_operands = 1 : i64, tpu.core_type = #tpu.core_type<tc>, window_params = [{transform_indices = @transform_0, window_bounds = array<i64: 1, 256, 3>}, {transform_indices = @transform_1, window_bounds = array<i64: 1, 3, 2048>}, {transform_indices = @transform_2, window_bounds = array<i64: 1, 256, 16>}]} {
    %add3A = arith.constant 2 : i32
    %add3A_0 = arith.addi %arg0, %add3A : i32
    %get3A = arith.constant 0 : index
    %get3A_1 = arith.constant 0 : index
    %get3A_2 = arith.constant 0 : index
    %get3A_3 = vector.load %arg2[%get3A, %get3A_1, %get3A_2] : memref<1x256x3xf32, #tpu.memory_space<vmem>>, vector<1x256x3xf32>
    %get3A_4 = vector.shape_cast %get3A_3 : vector<1x256x3xf32> to vector<256x3xf32>
    %get3A_5 = arith.constant 0 : index
    %get3A_6 = arith.constant 0 : index
    %get3A_7 = arith.constant 0 : index
    %get3A_8 = vector.load %arg3[%get3A_5, %get3A_6, %get3A_7] : memref<1x3x2048xf32, #tpu.memory_space<vmem>>, vector<1x3x2048xf32>
    %get3A_9 = vector.shape_cast %get3A_8 : vector<1x3x2048xf32> to vector<3x2048xf32>
    %mul3A = arith.mulf %get3A_9, %get3A_9 : vector<3x2048xf32>
    %reduce_sum3A = arith.constant dense<0.000000e+00> : vector<2048xf32>
    %reduce_sum3A_10 = vector.multi_reduction <add>, %mul3A, %reduce_sum3A [0] : vector<3x2048xf32> to vector<2048xf32>
    %broadcast_in_dim3A = vector.shape_cast %reduce_sum3A_10 : vector<2048xf32> to vector<1x2048xf32>
    %mul3A_11 = arith.mulf %get3A_4, %get3A_4 : vector<256x3xf32>
    %reduce_sum3A_12 = arith.constant dense<0.000000e+00> : vector<256xf32>
    %reduce_sum3A_13 = vector.multi_reduction <add>, %mul3A_11, %reduce_sum3A_12 [1] : vector<256x3xf32> to vector<256xf32>
    %broadcast_in_dim3A_14 = vector.shape_cast %reduce_sum3A_13 : vector<256xf32> to vector<256x1xf32>
    %dot_general3A = arith.constant dense<0.000000e+00> : vector<256x2048xf32>
    %dot_general3A_15 = tpu.matmul %get3A_4, %get3A_9, %dot_general3A {dimension_numbers = #tpu.dot_dimension_numbers<[1], [0], [0], [1], [0, 0, 1, 1], [], []>, transpose_lhs_hint = false} : vector<256x3xf32>, vector<3x2048xf32>, vector<256x2048xf32> -> vector<256x2048xf32>
    %add3A_16 = vector.broadcast %broadcast_in_dim3A_14 : vector<256x1xf32> to vector<256x2048xf32>
    %add3A_17 = vector.broadcast %broadcast_in_dim3A : vector<1x2048xf32> to vector<256x2048xf32>
    %add3A_18 = arith.addf %add3A_16, %add3A_17 : vector<256x2048xf32>
    %mul3A_19 = arith.constant 2.000000e+00 : f32
    %mul3A_20 = vector.broadcast %mul3A_19 : f32 to vector<256x2048xf32>
    %mul3A_21 = arith.mulf %mul3A_20, %dot_general3A_15 : vector<256x2048xf32>
    %sub3A = arith.subf %add3A_18, %mul3A_21 : vector<256x2048xf32>
    %swap3A = arith.constant 0 : index
    %swap3A_22 = arith.constant 0 : index
    %swap3A_23 = vector.load %arg5[%swap3A, %swap3A_22] : memref<256x2048xf32, #tpu.memory_space<vmem>>, vector<256x2048xf32>
    tpu.vector_store %arg5[%swap3A, %swap3A_22], %sub3A {strides = array<i32>} : memref<256x2048xf32, #tpu.memory_space<vmem>>, vector<256x2048xf32>,
    %scan3A = arith.constant 0 : i32
    %mul3A_24 = arith.constant 256 : i32
    %mul3A_25 = arith.muli %scan3A, %mul3A_24 : i32
    %get3A_26 = arith.index_cast %mul3A_25 : i32 to index
    %get3A_27 = arith.constant 0 : index
    %get3A_28 = vector.load %arg5[%get3A_26, %get3A_27] : memref<256x2048xf32, #tpu.memory_space<vmem>>, vector<256x2048xf32>
    %iota3A = tpu.iota {dimensions = array<i32: 1>} : vector<256x2048xi32>
    %iota3A_29 = tpu.iota {dimensions = array<i32: 1>} : vector<256x16xi32>
    %broadcast_in_dim3A_30 = arith.constant 0 : i32
    %broadcast_in_dim3A_31 = vector.broadcast %broadcast_in_dim3A_30 : i32 to vector<256x16xi32>
    %scan3A_32 = arith.constant 0 : i32
    %scan3A_33 = arith.constant 16 : i32
    %scan3A_34 = arith.addi %scan3A_32, %scan3A_33 : i32
    %scan3A_35 = arith.constant 1 : i32
    %scan3A_36:2 = scf.for %scan3A_51 = %scan3A_32 to %scan3A_34 step %scan3A_35 iter_args(%scan3A_52 = %get3A_28, %scan3A_53 = %broadcast_in_dim3A_31) -> (vector<256x2048xf32>, vector<256x16xi32>)  : i32 {
      %reduce_min3A = arith.constant dense<0x7F800000> : vector<256xf32>
      %reduce_min3A_54 = vector.multi_reduction <minimumf>, %scan3A_52, %reduce_min3A [1] : vector<256x2048xf32> to vector<256xf32>
      %broadcast_in_dim3A_55 = vector.shape_cast %reduce_min3A_54 : vector<256xf32> to vector<256x1xf32>
      %le3A = vector.broadcast %broadcast_in_dim3A_55 : vector<256x1xf32> to vector<256x2048xf32>
      %le3A_56 = arith.cmpf ole, %scan3A_52, %le3A : vector<256x2048xf32>
      %jit3A = arith.constant 2048 : i32
      %broadcast_in_dim3A_57 = vector.broadcast %jit3A : i32 to vector<256x2048xi32>
      %select_n3A = arith.select %le3A_56, %iota3A, %broadcast_in_dim3A_57 : vector<256x2048xi1>, vector<256x2048xi32>
      %reduce_min3A_58 = arith.constant dense<2147483647> : vector<256xi32>
      %reduce_min3A_59 = vector.multi_reduction <minsi>, %select_n3A, %reduce_min3A_58 [1] : vector<256x2048xi32> to vector<256xi32>
      %broadcast_in_dim3A_60 = vector.shape_cast %reduce_min3A_59 : vector<256xi32> to vector<256x1xi32>
      %eq3A = vector.broadcast %scan3A_51 : i32 to vector<256x16xi32>
      %eq3A_61 = arith.cmpi eq, %iota3A_29, %eq3A : vector<256x16xi32>
      %broadcast_in_dim3A_62 = vector.shape_cast %broadcast_in_dim3A_60 : vector<256x1xi32> to vector<256x1xi32>
      %broadcast_in_dim3A_63 = vector.broadcast %broadcast_in_dim3A_62 : vector<256x1xi32> to vector<256x16xi32>
      %select_n3A_64 = arith.select %eq3A_61, %broadcast_in_dim3A_63, %scan3A_53 : vector<256x16xi1>, vector<256x16xi32>
      %eq3A_65 = vector.broadcast %broadcast_in_dim3A_60 : vector<256x1xi32> to vector<256x2048xi32>
      %eq3A_66 = arith.cmpi eq, %iota3A, %eq3A_65 : vector<256x2048xi32>
      %jit3A_67 = arith.constant 3.000000e+38 : f32
      %broadcast_in_dim3A_68 = vector.broadcast %jit3A_67 : f32 to vector<256x2048xf32>
      %select_n3A_69 = arith.select %eq3A_66, %broadcast_in_dim3A_68, %scan3A_52 : vector<256x2048xi1>, vector<256x2048xf32>
      scf.yield %select_n3A_69, %select_n3A_64 : vector<256x2048xf32>, vector<256x16xi32>
    }
    %scan3A_37 = arith.constant 16 : i32
    %mul3A_38 = arith.constant 2048 : i32
    %mul3A_39 = arith.muli %add3A_0, %mul3A_38 : i32
    %add3A_40 = vector.broadcast %mul3A_39 : i32 to vector<256x16xi32>
    %add3A_41 = arith.addi %scan3A_36#1, %add3A_40 : vector<256x16xi32>
    %mul3A_42 = arith.constant 256 : i32
    %mul3A_43 = arith.muli %scan3A, %mul3A_42 : i32
    %swap3A_44 = arith.constant 0 : index
    %swap3A_45 = arith.index_cast %mul3A_43 : i32 to index
    %swap3A_46 = arith.constant 0 : index
    %swap3A_47 = vector.load %arg4[%swap3A_44, %swap3A_45, %swap3A_46] : memref<1x256x16xi32, #tpu.memory_space<vmem>>, vector<1x256x16xi32>
    %swap3A_48 = vector.shape_cast %swap3A_47 : vector<1x256x16xi32> to vector<256x16xi32>
    %swap3A_49 = vector.shape_cast %add3A_41 : vector<256x16xi32> to vector<1x256x16xi32>
    tpu.vector_store %arg4[%swap3A_44, %swap3A_45, %swap3A_46], %swap3A_49 {strides = array<i32>} : memref<1x256x16xi32, #tpu.memory_space<vmem>>, vector<1x256x16xi32>,
    %scan3A_50 = arith.constant 1 : i32
    return
  }
  func.func @transform_0(%arg0: i32, %arg1: i32) -> (i32, i32, i32) {
    %c0_i32 = arith.constant 0 : i32
    %c0_i32_0 = arith.constant 0 : i32
    return %arg0, %arg1, %c0_i32 : i32, i32, i32
  }
  func.func @transform_1(%arg0: i32, %arg1: i32) -> (i32, i32, i32) {
    %c0_i32 = arith.constant 0 : i32
    %c0_i32_0 = arith.constant 0 : i32
    %c0_i32_1 = arith.constant 0 : i32
    return %arg0, %c0_i32, %c0_i32_0 : i32, i32, i32
  }
  func.func @transform_2(%arg0: i32, %arg1: i32) -> (i32, i32, i32) {
    %c0_i32 = arith.constant 0 : i32
    %c0_i32_0 = arith.constant 0 : i32
    return %arg0, %arg1, %c0_i32 : i32, i32, i32
  }
}

module attributes {stable_mosaic.version = 14 : i64} {
  func.func @_prep_body(%arg0: i32, %arg1: memref<1x2048x256xf32, #tpu.memory_space<vmem>>, %arg2: memref<4x256xf32, #tpu.memory_space<vmem>>, %arg3: memref<256x256xf32, #tpu.memory_space<vmem>>, %arg4: memref<256x256xf32, #tpu.memory_space<vmem>>, %arg5: memref<256x256xf32, #tpu.memory_space<vmem>>, %arg6: memref<256x256xf32, #tpu.memory_space<vmem>>, %arg7: memref<256x256xf32, #tpu.memory_space<vmem>>, %arg8: memref<1x256xf32, #tpu.memory_space<vmem>>, %arg9: memref<256x256xf32, #tpu.memory_space<vmem>>, %arg10: memref<1x256xf32, #tpu.memory_space<vmem>>, %arg11: memref<256x256xf32, #tpu.memory_space<vmem>>, %arg12: memref<1x256xf32, #tpu.memory_space<vmem>>, %arg13: memref<256x256xf32, #tpu.memory_space<vmem>>, %arg14: memref<2048x256xi32, #tpu.memory_space<vmem>>, %arg15: memref<4x256xf32, #tpu.memory_space<vmem>>, %arg16: memref<4x256xf32, #tpu.memory_space<vmem>>, %arg17: memref<4x256xf32, #tpu.memory_space<vmem>>, %arg18: memref<256x256xbf16, #tpu.memory_space<vmem>>, %arg19: memref<256x256xbf16, #tpu.memory_space<vmem>>, %arg20: memref<256x256xbf16, #tpu.memory_space<vmem>>) attributes {dimension_semantics = [#tpu.dimension_semantics<arbitrary>], iteration_bounds = array<i64: 4>, scalar_prefetch = 0 : i64, scratch_operands = 0 : i64, tpu.core_type = #tpu.core_type<tc>, window_params = [{transform_indices = @transform_0, window_bounds = array<i64: 1, 2048, 256>}, {pipeline_mode = #tpu.pipeline_mode<synchronous>, transform_indices = @transform_1, window_bounds = array<i64: 4, 256>}, {pipeline_mode = #tpu.pipeline_mode<synchronous>, transform_indices = @transform_2, window_bounds = array<i64: 256, 256>}, {pipeline_mode = #tpu.pipeline_mode<synchronous>, transform_indices = @transform_3, window_bounds = array<i64: 256, 256>}, {pipeline_mode = #tpu.pipeline_mode<synchronous>, transform_indices = @transform_4, window_bounds = array<i64: 256, 256>}, {pipeline_mode = #tpu.pipeline_mode<synchronous>, transform_indices = @transform_5, window_bounds = array<i64: 256, 256>}, {pipeline_mode = #tpu.pipeline_mode<synchronous>, transform_indices = @transform_6, window_bounds = array<i64: 256, 256>}, {pipeline_mode = #tpu.pipeline_mode<synchronous>, transform_indices = @transform_7, window_bounds = array<i64: 1, 256>}, {pipeline_mode = #tpu.pipeline_mode<synchronous>, transform_indices = @transform_8, window_bounds = array<i64: 256, 256>}, {pipeline_mode = #tpu.pipeline_mode<synchronous>, transform_indices = @transform_9, window_bounds = array<i64: 1, 256>}, {pipeline_mode = #tpu.pipeline_mode<synchronous>, transform_indices = @transform_10, window_bounds = array<i64: 256, 256>}, {pipeline_mode = #tpu.pipeline_mode<synchronous>, transform_indices = @transform_11, window_bounds = array<i64: 1, 256>}, {pipeline_mode = #tpu.pipeline_mode<synchronous>, transform_indices = @transform_12, window_bounds = array<i64: 256, 256>}, {transform_indices = @transform_13, window_bounds = array<i64: 2048, 256>}, {pipeline_mode = #tpu.pipeline_mode<synchronous>, transform_indices = @transform_14, window_bounds = array<i64: 4, 256>}, {pipeline_mode = #tpu.pipeline_mode<synchronous>, transform_indices = @transform_15, window_bounds = array<i64: 4, 256>}, {pipeline_mode = #tpu.pipeline_mode<synchronous>, transform_indices = @transform_16, window_bounds = array<i64: 4, 256>}, {pipeline_mode = #tpu.pipeline_mode<synchronous>, transform_indices = @transform_17, window_bounds = array<i64: 256, 256>}, {pipeline_mode = #tpu.pipeline_mode<synchronous>, transform_indices = @transform_18, window_bounds = array<i64: 256, 256>}, {pipeline_mode = #tpu.pipeline_mode<synchronous>, transform_indices = @transform_19, window_bounds = array<i64: 256, 256>}]} {
    %get3A = arith.constant 0 : index
    %get3A_0 = arith.constant 0 : index
    %get3A_1 = arith.constant 0 : index
    %get3A_2 = vector.load %arg1[%get3A, %get3A_0, %get3A_1] : memref<1x2048x256xf32, #tpu.memory_space<vmem>>, vector<1x2048x256xf32>
    %get3A_3 = vector.shape_cast %get3A_2 : vector<1x2048x256xf32> to vector<2048x256xf32>
    %get3A_4 = arith.constant 0 : index
    %get3A_5 = arith.constant 0 : index
    %get3A_6 = vector.load %arg9[%get3A_4, %get3A_5] : memref<256x256xf32, #tpu.memory_space<vmem>>, vector<256x256xf32>
    %get3A_7 = arith.constant 0 : index
    %get3A_8 = arith.constant 0 : index
    %get3A_9 = vector.load %arg4[%get3A_7, %get3A_8] : memref<256x256xf32, #tpu.memory_space<vmem>>, vector<256x256xf32>
    %dot_general3A = arith.constant dense<0.000000e+00> : vector<256x256xf32>
    %dot_general3A_10 = tpu.matmul %get3A_9, %get3A_6, %dot_general3A {dimension_numbers = #tpu.dot_dimension_numbers<[1], [0], [0], [1], [0, 0, 1, 1], [], []>, transpose_lhs_hint = false} : vector<256x256xf32>, vector<256x256xf32>, vector<256x256xf32> -> vector<256x256xf32>
    %dot_general3A_11 = arith.constant dense<0.000000e+00> : vector<2048x256xf32>
    %dot_general3A_12 = tpu.matmul %get3A_3, %dot_general3A_10, %dot_general3A_11 {dimension_numbers = #tpu.dot_dimension_numbers<[1], [0], [0], [1], [0, 0, 1, 1], [], []>, transpose_lhs_hint = false} : vector<2048x256xf32>, vector<256x256xf32>, vector<2048x256xf32> -> vector<2048x256xf32>
    %get3A_13 = arith.constant 0 : index
    %get3A_14 = arith.constant 0 : index
    %get3A_15 = vector.load %arg5[%get3A_13, %get3A_14] : memref<256x256xf32, #tpu.memory_space<vmem>>, vector<256x256xf32>
    %dot_general3A_16 = arith.constant dense<0.000000e+00> : vector<2048x256xf32>
    %dot_general3A_17 = tpu.matmul %get3A_3, %get3A_15, %dot_general3A_16 {dimension_numbers = #tpu.dot_dimension_numbers<[1], [0], [0], [1], [0, 0, 1, 1], [], []>, transpose_lhs_hint = false} : vector<2048x256xf32>, vector<256x256xf32>, vector<2048x256xf32> -> vector<2048x256xf32>
    %convert_element_type3A = arith.truncf %dot_general3A_12 : vector<2048x256xf32> to vector<2048x256xbf16>
    %bitcast_convert_type3A = tpu.bitcast %convert_element_type3A : vector<2048x256xbf16> -> vector<2048x256xi16>
    %convert_element_type3A_18 = arith.truncf %dot_general3A_17 : vector<2048x256xf32> to vector<2048x256xbf16>
    %bitcast_convert_type3A_19 = tpu.bitcast %convert_element_type3A_18 : vector<2048x256xbf16> -> vector<2048x256xi16>
    %convert_element_type3A_20 = arith.extsi %bitcast_convert_type3A : vector<2048x256xi16> to vector<2048x256xi32>
    %and3A = arith.constant 65535 : i32
    %and3A_21 = vector.broadcast %and3A : i32 to vector<2048x256xi32>
    %and3A_22 = arith.andi %convert_element_type3A_20, %and3A_21 : vector<2048x256xi32>
    %convert_element_type3A_23 = arith.extsi %bitcast_convert_type3A_19 : vector<2048x256xi16> to vector<2048x256xi32>
    %shift_left3A = arith.constant 16 : i32
    %shift_left3A_24 = vector.broadcast %shift_left3A : i32 to vector<2048x256xi32>
    %shift_left3A_25 = arith.shli %convert_element_type3A_23, %shift_left3A_24 : vector<2048x256xi32>
    %or3A = arith.ori %and3A_22, %shift_left3A_25 : vector<2048x256xi32>
    %swap3A = arith.constant 0 : index
    %swap3A_26 = arith.constant 0 : index
    %swap3A_27 = vector.load %arg14[%swap3A, %swap3A_26] : memref<2048x256xi32, #tpu.memory_space<vmem>>, vector<2048x256xi32>
    tpu.vector_store %arg14[%swap3A, %swap3A_26], %or3A {strides = array<i32>} : memref<2048x256xi32, #tpu.memory_space<vmem>>, vector<2048x256xi32>,
    %get3A_28 = arith.constant 0 : index
    %get3A_29 = arith.constant 0 : index
    %get3A_30 = vector.load %arg2[%get3A_28, %get3A_29] : memref<4x256xf32, #tpu.memory_space<vmem>>, vector<4x256xf32>
    %get3A_31 = arith.constant 0 : index
    %get3A_32 = arith.constant 0 : index
    %get3A_33 = vector.load %arg3[%get3A_31, %get3A_32] : memref<256x256xf32, #tpu.memory_space<vmem>>, vector<256x256xf32>
    %dot_general3A_34 = arith.constant dense<0.000000e+00> : vector<4x256xf32>
    %dot_general3A_35 = tpu.matmul %get3A_30, %get3A_33, %dot_general3A_34 {dimension_numbers = #tpu.dot_dimension_numbers<[1], [0], [0], [1], [0, 0, 1, 1], [], []>, transpose_lhs_hint = false} : vector<4x256xf32>, vector<256x256xf32>, vector<4x256xf32> -> vector<4x256xf32>
    %dot_general3A_36 = arith.constant dense<0.000000e+00> : vector<4x256xf32>
    %dot_general3A_37 = tpu.matmul %dot_general3A_35, %get3A_6, %dot_general3A_36 {dimension_numbers = #tpu.dot_dimension_numbers<[1], [0], [0], [1], [0, 0, 1, 1], [], []>, transpose_lhs_hint = false} : vector<4x256xf32>, vector<256x256xf32>, vector<4x256xf32> -> vector<4x256xf32>
    %get3A_38 = arith.constant 0 : index
    %get3A_39 = arith.constant 0 : index
    %get3A_40 = vector.load %arg8[%get3A_38, %get3A_39] : memref<1x256xf32, #tpu.memory_space<vmem>>, vector<1x256xf32>
    %dot_general3A_41 = arith.constant dense<0.000000e+00> : vector<1x256xf32>
    %dot_general3A_42 = tpu.matmul %get3A_40, %get3A_6, %dot_general3A_41 {dimension_numbers = #tpu.dot_dimension_numbers<[1], [0], [0], [1], [0, 0, 1, 1], [], []>, transpose_lhs_hint = false} : vector<1x256xf32>, vector<256x256xf32>, vector<1x256xf32> -> vector<1x256xf32>
    %add3A = vector.broadcast %dot_general3A_42 : vector<1x256xf32> to vector<4x256xf32>
    %add3A_43 = arith.addf %dot_general3A_37, %add3A : vector<4x256xf32>
    %get3A_44 = arith.constant 0 : index
    %get3A_45 = arith.constant 0 : index
    %get3A_46 = vector.load %arg10[%get3A_44, %get3A_45] : memref<1x256xf32, #tpu.memory_space<vmem>>, vector<1x256xf32>
    %add3A_47 = vector.broadcast %get3A_46 : vector<1x256xf32> to vector<4x256xf32>
    %add3A_48 = arith.addf %add3A_43, %add3A_47 : vector<4x256xf32>
    %swap3A_49 = arith.constant 0 : index
    %swap3A_50 = arith.constant 0 : index
    %swap3A_51 = vector.load %arg15[%swap3A_49, %swap3A_50] : memref<4x256xf32, #tpu.memory_space<vmem>>, vector<4x256xf32>
    tpu.vector_store %arg15[%swap3A_49, %swap3A_50], %add3A_48 {strides = array<i32>} : memref<4x256xf32, #tpu.memory_space<vmem>>, vector<4x256xf32>,
    %get3A_52 = arith.constant 0 : index
    %get3A_53 = arith.constant 0 : index
    %get3A_54 = vector.load %arg6[%get3A_52, %get3A_53] : memref<256x256xf32, #tpu.memory_space<vmem>>, vector<256x256xf32>
    %dot_general3A_55 = arith.constant dense<0.000000e+00> : vector<4x256xf32>
    %dot_general3A_56 = tpu.matmul %get3A_30, %get3A_54, %dot_general3A_55 {dimension_numbers = #tpu.dot_dimension_numbers<[1], [0], [0], [1], [0, 0, 1, 1], [], []>, transpose_lhs_hint = false} : vector<4x256xf32>, vector<256x256xf32>, vector<4x256xf32> -> vector<4x256xf32>
    %sub3A = arith.subf %dot_general3A_35, %dot_general3A_56 : vector<4x256xf32>
    %dot_general3A_57 = arith.constant dense<0.000000e+00> : vector<4x256xf32>
    %dot_general3A_58 = tpu.matmul %sub3A, %get3A_6, %dot_general3A_57 {dimension_numbers = #tpu.dot_dimension_numbers<[1], [0], [0], [1], [0, 0, 1, 1], [], []>, transpose_lhs_hint = false} : vector<4x256xf32>, vector<256x256xf32>, vector<4x256xf32> -> vector<4x256xf32>
    %get3A_59 = arith.constant 0 : index
    %get3A_60 = arith.constant 0 : index
    %get3A_61 = vector.load %arg10[%get3A_59, %get3A_60] : memref<1x256xf32, #tpu.memory_space<vmem>>, vector<1x256xf32>
    %add3A_62 = vector.broadcast %get3A_61 : vector<1x256xf32> to vector<4x256xf32>
    %add3A_63 = arith.addf %dot_general3A_58, %add3A_62 : vector<4x256xf32>
    %max3A = arith.constant 0.000000e+00 : f32
    %max3A_64 = vector.broadcast %max3A : f32 to vector<4x256xf32>
    %max3A_65 = arith.maximumf %add3A_63, %max3A_64 : vector<4x256xf32>
    %get3A_66 = arith.constant 0 : index
    %get3A_67 = arith.constant 0 : index
    %get3A_68 = vector.load %arg11[%get3A_66, %get3A_67] : memref<256x256xf32, #tpu.memory_space<vmem>>, vector<256x256xf32>
    %dot_general3A_69 = arith.constant dense<0.000000e+00> : vector<4x256xf32>
    %dot_general3A_70 = tpu.matmul %max3A_65, %get3A_68, %dot_general3A_69 {dimension_numbers = #tpu.dot_dimension_numbers<[1], [0], [0], [1], [0, 0, 1, 1], [], []>, transpose_lhs_hint = false} : vector<4x256xf32>, vector<256x256xf32>, vector<4x256xf32> -> vector<4x256xf32>
    %get3A_71 = arith.constant 0 : index
    %get3A_72 = arith.constant 0 : index
    %get3A_73 = vector.load %arg12[%get3A_71, %get3A_72] : memref<1x256xf32, #tpu.memory_space<vmem>>, vector<1x256xf32>
    %add3A_74 = vector.broadcast %get3A_73 : vector<1x256xf32> to vector<4x256xf32>
    %add3A_75 = arith.addf %dot_general3A_70, %add3A_74 : vector<4x256xf32>
    %swap3A_76 = arith.constant 0 : index
    %swap3A_77 = arith.constant 0 : index
    %swap3A_78 = vector.load %arg16[%swap3A_76, %swap3A_77] : memref<4x256xf32, #tpu.memory_space<vmem>>, vector<4x256xf32>
    tpu.vector_store %arg16[%swap3A_76, %swap3A_77], %add3A_75 {strides = array<i32>} : memref<4x256xf32, #tpu.memory_space<vmem>>, vector<4x256xf32>,
    %get3A_79 = arith.constant 0 : index
    %get3A_80 = arith.constant 0 : index
    %get3A_81 = vector.load %arg7[%get3A_79, %get3A_80] : memref<256x256xf32, #tpu.memory_space<vmem>>, vector<256x256xf32>
    %dot_general3A_82 = arith.constant dense<0.000000e+00> : vector<4x256xf32>
    %dot_general3A_83 = tpu.matmul %get3A_30, %get3A_81, %dot_general3A_82 {dimension_numbers = #tpu.dot_dimension_numbers<[1], [0], [0], [1], [0, 0, 1, 1], [], []>, transpose_lhs_hint = false} : vector<4x256xf32>, vector<256x256xf32>, vector<4x256xf32> -> vector<4x256xf32>
    %swap3A_84 = arith.constant 0 : index
    %swap3A_85 = arith.constant 0 : index
    %swap3A_86 = vector.load %arg17[%swap3A_84, %swap3A_85] : memref<4x256xf32, #tpu.memory_space<vmem>>, vector<4x256xf32>
    tpu.vector_store %arg17[%swap3A_84, %swap3A_85], %dot_general3A_83 {strides = array<i32>} : memref<4x256xf32, #tpu.memory_space<vmem>>, vector<4x256xf32>,
    %get3A_87 = arith.constant 0 : index
    %get3A_88 = arith.constant 0 : index
    %get3A_89 = vector.load %arg13[%get3A_87, %get3A_88] : memref<256x256xf32, #tpu.memory_space<vmem>>, vector<256x256xf32>
    %dot_general3A_90 = arith.constant dense<0.000000e+00> : vector<256x256xf32>
    %dot_general3A_91 = tpu.matmul %get3A_89, %get3A_6, %dot_general3A_90 {dimension_numbers = #tpu.dot_dimension_numbers<[1], [0], [0], [1], [0, 0, 1, 1], [], []>, transpose_lhs_hint = false} : vector<256x256xf32>, vector<256x256xf32>, vector<256x256xf32> -> vector<256x256xf32>
    %convert_element_type3A_92 = arith.truncf %dot_general3A_91 : vector<256x256xf32> to vector<256x256xbf16>
    %swap3A_93 = arith.constant 0 : index
    %swap3A_94 = arith.constant 0 : index
    %swap3A_95 = vector.load %arg18[%swap3A_93, %swap3A_94] : memref<256x256xbf16, #tpu.memory_space<vmem>>, vector<256x256xbf16>
    tpu.vector_store %arg18[%swap3A_93, %swap3A_94], %convert_element_type3A_92 {strides = array<i32>} : memref<256x256xbf16, #tpu.memory_space<vmem>>, vector<256x256xbf16>,
    %get3A_96 = arith.constant 0 : index
    %get3A_97 = arith.constant 0 : index
    %get3A_98 = vector.load %arg13[%get3A_96, %get3A_97] : memref<256x256xf32, #tpu.memory_space<vmem>>, vector<256x256xf32>
    %convert_element_type3A_99 = arith.truncf %get3A_98 : vector<256x256xf32> to vector<256x256xbf16>
    %swap3A_100 = arith.constant 0 : index
    %swap3A_101 = arith.constant 0 : index
    %swap3A_102 = vector.load %arg19[%swap3A_100, %swap3A_101] : memref<256x256xbf16, #tpu.memory_space<vmem>>, vector<256x256xbf16>
    tpu.vector_store %arg19[%swap3A_100, %swap3A_101], %convert_element_type3A_99 {strides = array<i32>} : memref<256x256xbf16, #tpu.memory_space<vmem>>, vector<256x256xbf16>,
    %get3A_103 = arith.constant 0 : index
    %get3A_104 = arith.constant 0 : index
    %get3A_105 = vector.load %arg11[%get3A_103, %get3A_104] : memref<256x256xf32, #tpu.memory_space<vmem>>, vector<256x256xf32>
    %convert_element_type3A_106 = arith.truncf %get3A_105 : vector<256x256xf32> to vector<256x256xbf16>
    %swap3A_107 = arith.constant 0 : index
    %swap3A_108 = arith.constant 0 : index
    %swap3A_109 = vector.load %arg20[%swap3A_107, %swap3A_108] : memref<256x256xbf16, #tpu.memory_space<vmem>>, vector<256x256xbf16>
    tpu.vector_store %arg20[%swap3A_107, %swap3A_108], %convert_element_type3A_106 {strides = array<i32>} : memref<256x256xbf16, #tpu.memory_space<vmem>>, vector<256x256xbf16>,
    return
  }
  func.func @transform_0(%arg0: i32) -> (i32, i32, i32) {
    %c0_i32 = arith.constant 0 : i32
    %c0_i32_0 = arith.constant 0 : i32
    %c0_i32_1 = arith.constant 0 : i32
    return %arg0, %c0_i32, %c0_i32_0 : i32, i32, i32
  }
  func.func @transform_1(%arg0: i32) -> (i32, i32) {
    %c0_i32 = arith.constant 0 : i32
    %c0_i32_0 = arith.constant 0 : i32
    %c0_i32_1 = arith.constant 0 : i32
    return %c0_i32, %c0_i32_0 : i32, i32
  }
  func.func @transform_2(%arg0: i32) -> (i32, i32) {
    %c0_i32 = arith.constant 0 : i32
    %c0_i32_0 = arith.constant 0 : i32
    %c0_i32_1 = arith.constant 0 : i32
    return %c0_i32, %c0_i32_0 : i32, i32
  }
  func.func @transform_3(%arg0: i32) -> (i32, i32) {
    %c0_i32 = arith.constant 0 : i32
    %c0_i32_0 = arith.constant 0 : i32
    %c0_i32_1 = arith.constant 0 : i32
    return %c0_i32, %c0_i32_0 : i32, i32
  }
  func.func @transform_4(%arg0: i32) -> (i32, i32) {
    %c0_i32 = arith.constant 0 : i32
    %c0_i32_0 = arith.constant 0 : i32
    %c0_i32_1 = arith.constant 0 : i32
    return %c0_i32, %c0_i32_0 : i32, i32
  }
  func.func @transform_5(%arg0: i32) -> (i32, i32) {
    %c0_i32 = arith.constant 0 : i32
    %c0_i32_0 = arith.constant 0 : i32
    %c0_i32_1 = arith.constant 0 : i32
    return %c0_i32, %c0_i32_0 : i32, i32
  }
  func.func @transform_6(%arg0: i32) -> (i32, i32) {
    %c0_i32 = arith.constant 0 : i32
    %c0_i32_0 = arith.constant 0 : i32
    %c0_i32_1 = arith.constant 0 : i32
    return %c0_i32, %c0_i32_0 : i32, i32
  }
  func.func @transform_7(%arg0: i32) -> (i32, i32) {
    %c0_i32 = arith.constant 0 : i32
    %c0_i32_0 = arith.constant 0 : i32
    %c0_i32_1 = arith.constant 0 : i32
    return %c0_i32, %c0_i32_0 : i32, i32
  }
  func.func @transform_8(%arg0: i32) -> (i32, i32) {
    %c0_i32 = arith.constant 0 : i32
    %c0_i32_0 = arith.constant 0 : i32
    %c0_i32_1 = arith.constant 0 : i32
    return %c0_i32, %c0_i32_0 : i32, i32
  }
  func.func @transform_9(%arg0: i32) -> (i32, i32) {
    %c0_i32 = arith.constant 0 : i32
    %c0_i32_0 = arith.constant 0 : i32
    %c0_i32_1 = arith.constant 0 : i32
    return %c0_i32, %c0_i32_0 : i32, i32
  }
  func.func @transform_10(%arg0: i32) -> (i32, i32) {
    %c0_i32 = arith.constant 0 : i32
    %c0_i32_0 = arith.constant 0 : i32
    %c0_i32_1 = arith.constant 0 : i32
    return %c0_i32, %c0_i32_0 : i32, i32
  }
  func.func @transform_11(%arg0: i32) -> (i32, i32) {
    %c0_i32 = arith.constant 0 : i32
    %c0_i32_0 = arith.constant 0 : i32
    %c0_i32_1 = arith.constant 0 : i32
    return %c0_i32, %c0_i32_0 : i32, i32
  }
  func.func @transform_12(%arg0: i32) -> (i32, i32) {
    %c0_i32 = arith.constant 0 : i32
    %c0_i32_0 = arith.constant 0 : i32
    %c0_i32_1 = arith.constant 0 : i32
    return %c0_i32, %c0_i32_0 : i32, i32
  }
  func.func @transform_13(%arg0: i32) -> (i32, i32) {
    %c0_i32 = arith.constant 0 : i32
    %c0_i32_0 = arith.constant 0 : i32
    return %arg0, %c0_i32 : i32, i32
  }
  func.func @transform_14(%arg0: i32) -> (i32, i32) {
    %c0_i32 = arith.constant 0 : i32
    %c0_i32_0 = arith.constant 0 : i32
    %c0_i32_1 = arith.constant 0 : i32
    return %c0_i32, %c0_i32_0 : i32, i32
  }
  func.func @transform_15(%arg0: i32) -> (i32, i32) {
    %c0_i32 = arith.constant 0 : i32
    %c0_i32_0 = arith.constant 0 : i32
    %c0_i32_1 = arith.constant 0 : i32
    return %c0_i32, %c0_i32_0 : i32, i32
  }
  func.func @transform_16(%arg0: i32) -> (i32, i32) {
    %c0_i32 = arith.constant 0 : i32
    %c0_i32_0 = arith.constant 0 : i32
    %c0_i32_1 = arith.constant 0 : i32
    return %c0_i32, %c0_i32_0 : i32, i32
  }
  func.func @transform_17(%arg0: i32) -> (i32, i32) {
    %c0_i32 = arith.constant 0 : i32
    %c0_i32_0 = arith.constant 0 : i32
    %c0_i32_1 = arith.constant 0 : i32
    return %c0_i32, %c0_i32_0 : i32, i32
  }
  func.func @transform_18(%arg0: i32) -> (i32, i32) {
    %c0_i32 = arith.constant 0 : i32
    %c0_i32_0 = arith.constant 0 : i32
    %c0_i32_1 = arith.constant 0 : i32
    return %c0_i32, %c0_i32_0 : i32, i32
  }
  func.func @transform_19(%arg0: i32) -> (i32, i32) {
    %c0_i32 = arith.constant 0 : i32
    %c0_i32_0 = arith.constant 0 : i32
    %c0_i32_1 = arith.constant 0 : i32
    return %c0_i32, %c0_i32_0 : i32, i32
  }
}

module attributes {stable_mosaic.version = 14 : i64} {
  func.func @_attend_body(%arg0: i32, %arg1: i32, %arg2: memref<2048x256xi32, #tpu.memory_space<vmem>>, %arg3: memref<2048x16xf32, #tpu.memory_space<vmem>>, %arg4: memref<1x128x3xf32, #tpu.memory_space<vmem>>, %arg5: memref<1x1x256xf32, #tpu.memory_space<vmem>>, %arg6: memref<1x1x256xf32, #tpu.memory_space<vmem>>, %arg7: memref<1x1x256xf32, #tpu.memory_space<vmem>>, %arg8: memref<256x256xbf16, #tpu.memory_space<vmem>>, %arg9: memref<3x256xf32, #tpu.memory_space<vmem>>, %arg10: memref<1x256xf32, #tpu.memory_space<vmem>>, %arg11: memref<256x256xbf16, #tpu.memory_space<vmem>>, %arg12: memref<1x256xf32, #tpu.memory_space<vmem>>, %arg13: memref<256x256xbf16, #tpu.memory_space<vmem>>, %arg14: memref<1x256xf32, #tpu.memory_space<vmem>>, %arg15: memref<1x128x256xf32, #tpu.memory_space<vmem>>) attributes {dimension_semantics = [#tpu.dimension_semantics<arbitrary>, #tpu.dimension_semantics<arbitrary>], iteration_bounds = array<i64: 2, 16>, scalar_prefetch = 0 : i64, scratch_operands = 0 : i64, tpu.core_type = #tpu.core_type<tc>, window_params = [{transform_indices = @transform_0, window_bounds = array<i64: 2048, 256>}, {transform_indices = @transform_1, window_bounds = array<i64: 2048, 16>}, {transform_indices = @transform_2, window_bounds = array<i64: 1, 128, 3>}, {transform_indices = @transform_3, window_bounds = array<i64: 1, 1, 256>}, {transform_indices = @transform_4, window_bounds = array<i64: 1, 1, 256>}, {transform_indices = @transform_5, window_bounds = array<i64: 1, 1, 256>}, {pipeline_mode = #tpu.pipeline_mode<synchronous>, transform_indices = @transform_6, window_bounds = array<i64: 256, 256>}, {pipeline_mode = #tpu.pipeline_mode<synchronous>, transform_indices = @transform_7, window_bounds = array<i64: 3, 256>}, {pipeline_mode = #tpu.pipeline_mode<synchronous>, transform_indices = @transform_8, window_bounds = array<i64: 1, 256>}, {pipeline_mode = #tpu.pipeline_mode<synchronous>, transform_indices = @transform_9, window_bounds = array<i64: 256, 256>}, {pipeline_mode = #tpu.pipeline_mode<synchronous>, transform_indices = @transform_10, window_bounds = array<i64: 1, 256>}, {pipeline_mode = #tpu.pipeline_mode<synchronous>, transform_indices = @transform_11, window_bounds = array<i64: 256, 256>}, {pipeline_mode = #tpu.pipeline_mode<synchronous>, transform_indices = @transform_12, window_bounds = array<i64: 1, 256>}, {transform_indices = @transform_13, window_bounds = array<i64: 1, 128, 256>}]} {
    %get3A = arith.constant 0 : index
    %get3A_0 = arith.constant 0 : index
    %get3A_1 = vector.load %arg2[%get3A, %get3A_0] : memref<2048x256xi32, #tpu.memory_space<vmem>>, vector<2048x256xi32>
    %and3A = arith.constant 65535 : i32
    %and3A_2 = vector.broadcast %and3A : i32 to vector<2048x256xi32>
    %and3A_3 = arith.andi %get3A_1, %and3A_2 : vector<2048x256xi32>
    %convert_element_type3A = arith.trunci %and3A_3 : vector<2048x256xi32> to vector<2048x256xi16>
    %bitcast_convert_type3A = tpu.bitcast %convert_element_type3A : vector<2048x256xi16> -> vector<2048x256xbf16>
    %convert_element_type3A_4 = arith.extf %bitcast_convert_type3A : vector<2048x256xbf16> to vector<2048x256xf32>
    %shift_right_arithmetic3A = arith.constant 16 : i32
    %shift_right_arithmetic3A_5 = vector.broadcast %shift_right_arithmetic3A : i32 to vector<2048x256xi32>
    %shift_right_arithmetic3A_6 = arith.shrsi %get3A_1, %shift_right_arithmetic3A_5 : vector<2048x256xi32>
    %convert_element_type3A_7 = arith.trunci %shift_right_arithmetic3A_6 : vector<2048x256xi32> to vector<2048x256xi16>
    %bitcast_convert_type3A_8 = tpu.bitcast %convert_element_type3A_7 : vector<2048x256xi16> -> vector<2048x256xbf16>
    %convert_element_type3A_9 = arith.extf %bitcast_convert_type3A_8 : vector<2048x256xbf16> to vector<2048x256xf32>
    %get3A_10 = arith.constant 0 : index
    %get3A_11 = arith.constant 0 : index
    %get3A_12 = vector.load %arg3[%get3A_10, %get3A_11] : memref<2048x16xf32, #tpu.memory_space<vmem>>, vector<2048x16xf32>
    %slice3A = vector.extract_strided_slice %get3A_12 {offsets = [0, 0], sizes = [2048, 3], strides = [1, 1]} : vector<2048x16xf32> to vector<2048x3xf32>
    %get3A_13 = arith.constant 0 : index
    %get3A_14 = arith.constant 0 : index
    %get3A_15 = arith.constant 0 : index
    %get3A_16 = vector.load %arg4[%get3A_13, %get3A_14, %get3A_15] : memref<1x128x3xf32, #tpu.memory_space<vmem>>, vector<1x128x3xf32>
    %get3A_17 = vector.shape_cast %get3A_16 : vector<1x128x3xf32> to vector<128x3xf32>
    %broadcast_in_dim3A = vector.shape_cast %get3A_17 : vector<128x3xf32> to vector<128x1x3xf32>
    %broadcast_in_dim3A_18 = vector.shape_cast %broadcast_in_dim3A : vector<128x1x3xf32> to vector<128x1x3xf32>
    %broadcast_in_dim3A_19 = vector.broadcast %broadcast_in_dim3A_18 : vector<128x1x3xf32> to vector<128x16x3xf32>
    %reshape3A = vector.shape_cast %broadcast_in_dim3A_19 : vector<128x16x3xf32> to vector<2048x3xf32>
    %sub3A = arith.subf %reshape3A, %slice3A : vector<2048x3xf32>
    %get3A_20 = arith.constant 0 : index
    %get3A_21 = arith.constant 0 : index
    %get3A_22 = vector.load %arg9[%get3A_20, %get3A_21] : memref<3x256xf32, #tpu.memory_space<vmem>>, vector<3x256xf32>
    %dot_general3A = arith.constant dense<0.000000e+00> : vector<2048x256xf32>
    %dot_general3A_23 = tpu.matmul %sub3A, %get3A_22, %dot_general3A {dimension_numbers = #tpu.dot_dimension_numbers<[1], [0], [0], [1], [0, 0, 1, 1], [], []>, transpose_lhs_hint = false} : vector<2048x3xf32>, vector<3x256xf32>, vector<2048x256xf32> -> vector<2048x256xf32>
    %get3A_24 = arith.constant 0 : index
    %get3A_25 = arith.constant 0 : index
    %get3A_26 = vector.load %arg10[%get3A_24, %get3A_25] : memref<1x256xf32, #tpu.memory_space<vmem>>, vector<1x256xf32>
    %add3A = vector.broadcast %get3A_26 : vector<1x256xf32> to vector<2048x256xf32>
    %add3A_27 = arith.addf %dot_general3A_23, %add3A : vector<2048x256xf32>
    %max3A = arith.constant 0.000000e+00 : f32
    %max3A_28 = vector.broadcast %max3A : f32 to vector<2048x256xf32>
    %max3A_29 = arith.maximumf %add3A_27, %max3A_28 : vector<2048x256xf32>
    %convert_element_type3A_30 = arith.truncf %max3A_29 : vector<2048x256xf32> to vector<2048x256xbf16>
    %get3A_31 = arith.constant 0 : index
    %get3A_32 = arith.constant 0 : index
    %get3A_33 = vector.load %arg8[%get3A_31, %get3A_32] : memref<256x256xbf16, #tpu.memory_space<vmem>>, vector<256x256xbf16>
    %dot_general3A_34 = arith.constant dense<0.000000e+00> : vector<2048x256xf32>
    %dot_general3A_35 = tpu.matmul %convert_element_type3A_30, %get3A_33, %dot_general3A_34 {dimension_numbers = #tpu.dot_dimension_numbers<[1], [0], [0], [1], [0, 0, 1, 1], [], []>, transpose_lhs_hint = false} : vector<2048x256xbf16>, vector<256x256xbf16>, vector<2048x256xf32> -> vector<2048x256xf32>
    %get3A_36 = arith.constant 0 : index
    %get3A_37 = arith.constant 0 : index
    %get3A_38 = arith.constant 0 : index
    %get3A_39 = vector.load %arg5[%get3A_36, %get3A_37, %get3A_38] : memref<1x1x256xf32, #tpu.memory_space<vmem>>, vector<1x1x256xf32>
    %get3A_40 = vector.shape_cast %get3A_39 : vector<1x1x256xf32> to vector<1x256xf32>
    %sub3A_41 = vector.broadcast %get3A_40 : vector<1x256xf32> to vector<2048x256xf32>
    %sub3A_42 = arith.subf %sub3A_41, %convert_element_type3A_4 : vector<2048x256xf32>
    %add3A_43 = arith.addf %sub3A_42, %dot_general3A_35 : vector<2048x256xf32>
    %max3A_44 = arith.constant 0.000000e+00 : f32
    %max3A_45 = vector.broadcast %max3A_44 : f32 to vector<2048x256xf32>
    %max3A_46 = arith.maximumf %add3A_43, %max3A_45 : vector<2048x256xf32>
    %convert_element_type3A_47 = arith.truncf %max3A_46 : vector<2048x256xf32> to vector<2048x256xbf16>
    %get3A_48 = arith.constant 0 : index
    %get3A_49 = arith.constant 0 : index
    %get3A_50 = vector.load %arg13[%get3A_48, %get3A_49] : memref<256x256xbf16, #tpu.memory_space<vmem>>, vector<256x256xbf16>
    %dot_general3A_51 = arith.constant dense<0.000000e+00> : vector<2048x256xf32>
    %dot_general3A_52 = tpu.matmul %convert_element_type3A_47, %get3A_50, %dot_general3A_51 {dimension_numbers = #tpu.dot_dimension_numbers<[1], [0], [0], [1], [0, 0, 1, 1], [], []>, transpose_lhs_hint = false} : vector<2048x256xbf16>, vector<256x256xbf16>, vector<2048x256xf32> -> vector<2048x256xf32>
    %get3A_53 = arith.constant 0 : index
    %get3A_54 = arith.constant 0 : index
    %get3A_55 = vector.load %arg14[%get3A_53, %get3A_54] : memref<1x256xf32, #tpu.memory_space<vmem>>, vector<1x256xf32>
    %add3A_56 = vector.broadcast %get3A_55 : vector<1x256xf32> to vector<2048x256xf32>
    %add3A_57 = arith.addf %dot_general3A_52, %add3A_56 : vector<2048x256xf32>
    %get3A_58 = arith.constant 0 : index
    %get3A_59 = arith.constant 0 : index
    %get3A_60 = vector.load %arg11[%get3A_58, %get3A_59] : memref<256x256xbf16, #tpu.memory_space<vmem>>, vector<256x256xbf16>
    %dot_general3A_61 = arith.constant dense<0.000000e+00> : vector<2048x256xf32>
    %dot_general3A_62 = tpu.matmul %convert_element_type3A_30, %get3A_60, %dot_general3A_61 {dimension_numbers = #tpu.dot_dimension_numbers<[1], [0], [0], [1], [0, 0, 1, 1], [], []>, transpose_lhs_hint = false} : vector<2048x256xbf16>, vector<256x256xbf16>, vector<2048x256xf32> -> vector<2048x256xf32>
    %get3A_63 = arith.constant 0 : index
    %get3A_64 = arith.constant 0 : index
    %get3A_65 = vector.load %arg12[%get3A_63, %get3A_64] : memref<1x256xf32, #tpu.memory_space<vmem>>, vector<1x256xf32>
    %add3A_66 = vector.broadcast %get3A_65 : vector<1x256xf32> to vector<2048x256xf32>
    %add3A_67 = arith.addf %dot_general3A_62, %add3A_66 : vector<2048x256xf32>
    %add3A_68 = arith.addf %convert_element_type3A_9, %add3A_67 : vector<2048x256xf32>
    %reshape3A_69 = vector.shape_cast %add3A_57 : vector<2048x256xf32> to vector<128x16x256xf32>
    %reshape3A_70 = vector.shape_cast %add3A_68 : vector<2048x256xf32> to vector<128x16x256xf32>
    %get3A_71 = arith.constant 0 : index
    %get3A_72 = arith.constant 0 : index
    %get3A_73 = arith.constant 0 : index
    %get3A_74 = vector.load %arg6[%get3A_71, %get3A_72, %get3A_73] : memref<1x1x256xf32, #tpu.memory_space<vmem>>, vector<1x1x256xf32>
    %get3A_75 = vector.shape_cast %get3A_74 : vector<1x1x256xf32> to vector<1x256xf32>
    %reduce_max3A = arith.constant dense<0xFF800000> : vector<128x256xf32>
    %reduce_max3A_76 = vector.multi_reduction <maximumf>, %reshape3A_69, %reduce_max3A [1] : vector<128x16x256xf32> to vector<128x256xf32>
    %max3A_77 = vector.broadcast %get3A_75 : vector<1x256xf32> to vector<128x256xf32>
    %max3A_78 = arith.maximumf %reduce_max3A_76, %max3A_77 : vector<128x256xf32>
    %broadcast_in_dim3A_79 = vector.shape_cast %max3A_78 : vector<128x256xf32> to vector<128x1x256xf32>
    %sub3A_80 = vector.broadcast %broadcast_in_dim3A_79 : vector<128x1x256xf32> to vector<128x16x256xf32>
    %sub3A_81 = arith.subf %reshape3A_69, %sub3A_80 : vector<128x16x256xf32>
    %exp3A = math.exp %sub3A_81 : vector<128x16x256xf32>
    %sub3A_82 = vector.broadcast %get3A_75 : vector<1x256xf32> to vector<128x256xf32>
    %sub3A_83 = arith.subf %sub3A_82, %max3A_78 : vector<128x256xf32>
    %exp3A_84 = math.exp %sub3A_83 : vector<128x256xf32>
    %reduce_sum3A = arith.constant dense<0.000000e+00> : vector<128x256xf32>
    %reduce_sum3A_85 = vector.multi_reduction <add>, %exp3A, %reduce_sum3A [1] : vector<128x16x256xf32> to vector<128x256xf32>
    %add3A_86 = arith.addf %reduce_sum3A_85, %exp3A_84 : vector<128x256xf32>
    %mul3A = arith.mulf %exp3A, %reshape3A_70 : vector<128x16x256xf32>
    %reduce_sum3A_87 = arith.constant dense<0.000000e+00> : vector<128x256xf32>
    %reduce_sum3A_88 = vector.multi_reduction <add>, %mul3A, %reduce_sum3A_87 [1] : vector<128x16x256xf32> to vector<128x256xf32>
    %get3A_89 = arith.constant 0 : index
    %get3A_90 = arith.constant 0 : index
    %get3A_91 = arith.constant 0 : index
    %get3A_92 = vector.load %arg7[%get3A_89, %get3A_90, %get3A_91] : memref<1x1x256xf32, #tpu.memory_space<vmem>>, vector<1x1x256xf32>
    %get3A_93 = vector.shape_cast %get3A_92 : vector<1x1x256xf32> to vector<1x256xf32>
    %mul3A_94 = vector.broadcast %get3A_93 : vector<1x256xf32> to vector<128x256xf32>
    %mul3A_95 = arith.mulf %exp3A_84, %mul3A_94 : vector<128x256xf32>
    %add3A_96 = arith.addf %reduce_sum3A_88, %mul3A_95 : vector<128x256xf32>
    %div3A = arith.divf %add3A_96, %add3A_86 : vector<128x256xf32>
    %swap3A = arith.constant 0 : index
    %swap3A_97 = arith.constant 0 : index
    %swap3A_98 = arith.constant 0 : index
    %swap3A_99 = vector.load %arg15[%swap3A, %swap3A_97, %swap3A_98] : memref<1x128x256xf32, #tpu.memory_space<vmem>>, vector<1x128x256xf32>
    %swap3A_100 = vector.shape_cast %swap3A_99 : vector<1x128x256xf32> to vector<128x256xf32>
    %swap3A_101 = vector.shape_cast %div3A : vector<128x256xf32> to vector<1x128x256xf32>
    tpu.vector_store %arg15[%swap3A, %swap3A_97, %swap3A_98], %swap3A_101 {strides = array<i32>} : memref<1x128x256xf32, #tpu.memory_space<vmem>>, vector<1x128x256xf32>,
    return
  }
  func.func @transform_0(%arg0: i32, %arg1: i32) -> (i32, i32) {
    %mul3A = arith.constant 16 : i32
    %mul3A_0 = arith.muli %arg0, %mul3A : i32
    %add3A = arith.addi %mul3A_0, %arg1 : i32
    %c0_i32 = arith.constant 0 : i32
    %c0_i32_1 = arith.constant 0 : i32
    return %add3A, %c0_i32 : i32, i32
  }
  func.func @transform_1(%arg0: i32, %arg1: i32) -> (i32, i32) {
    %mul3A = arith.constant 16 : i32
    %mul3A_0 = arith.muli %arg0, %mul3A : i32
    %add3A = arith.addi %mul3A_0, %arg1 : i32
    %c0_i32 = arith.constant 0 : i32
    %c0_i32_1 = arith.constant 0 : i32
    return %add3A, %c0_i32 : i32, i32
  }
  func.func @transform_2(%arg0: i32, %arg1: i32) -> (i32, i32, i32) {
    %c0_i32 = arith.constant 0 : i32
    %c0_i32_0 = arith.constant 0 : i32
    return %arg0, %arg1, %c0_i32 : i32, i32, i32
  }
  func.func @transform_3(%arg0: i32, %arg1: i32) -> (i32, i32, i32) {
    %c0_i32 = arith.constant 0 : i32
    %c0_i32_0 = arith.constant 0 : i32
    %c0_i32_1 = arith.constant 0 : i32
    return %arg0, %c0_i32, %c0_i32_0 : i32, i32, i32
  }
  func.func @transform_4(%arg0: i32, %arg1: i32) -> (i32, i32, i32) {
    %c0_i32 = arith.constant 0 : i32
    %c0_i32_0 = arith.constant 0 : i32
    %c0_i32_1 = arith.constant 0 : i32
    return %arg0, %c0_i32, %c0_i32_0 : i32, i32, i32
  }
  func.func @transform_5(%arg0: i32, %arg1: i32) -> (i32, i32, i32) {
    %c0_i32 = arith.constant 0 : i32
    %c0_i32_0 = arith.constant 0 : i32
    %c0_i32_1 = arith.constant 0 : i32
    return %arg0, %c0_i32, %c0_i32_0 : i32, i32, i32
  }
  func.func @transform_6(%arg0: i32, %arg1: i32) -> (i32, i32) {
    %c0_i32 = arith.constant 0 : i32
    %c0_i32_0 = arith.constant 0 : i32
    %c0_i32_1 = arith.constant 0 : i32
    return %c0_i32, %c0_i32_0 : i32, i32
  }
  func.func @transform_7(%arg0: i32, %arg1: i32) -> (i32, i32) {
    %c0_i32 = arith.constant 0 : i32
    %c0_i32_0 = arith.constant 0 : i32
    %c0_i32_1 = arith.constant 0 : i32
    return %c0_i32, %c0_i32_0 : i32, i32
  }
  func.func @transform_8(%arg0: i32, %arg1: i32) -> (i32, i32) {
    %c0_i32 = arith.constant 0 : i32
    %c0_i32_0 = arith.constant 0 : i32
    %c0_i32_1 = arith.constant 0 : i32
    return %c0_i32, %c0_i32_0 : i32, i32
  }
  func.func @transform_9(%arg0: i32, %arg1: i32) -> (i32, i32) {
    %c0_i32 = arith.constant 0 : i32
    %c0_i32_0 = arith.constant 0 : i32
    %c0_i32_1 = arith.constant 0 : i32
    return %c0_i32, %c0_i32_0 : i32, i32
  }
  func.func @transform_10(%arg0: i32, %arg1: i32) -> (i32, i32) {
    %c0_i32 = arith.constant 0 : i32
    %c0_i32_0 = arith.constant 0 : i32
    %c0_i32_1 = arith.constant 0 : i32
    return %c0_i32, %c0_i32_0 : i32, i32
  }
  func.func @transform_11(%arg0: i32, %arg1: i32) -> (i32, i32) {
    %c0_i32 = arith.constant 0 : i32
    %c0_i32_0 = arith.constant 0 : i32
    %c0_i32_1 = arith.constant 0 : i32
    return %c0_i32, %c0_i32_0 : i32, i32
  }
  func.func @transform_12(%arg0: i32, %arg1: i32) -> (i32, i32) {
    %c0_i32 = arith.constant 0 : i32
    %c0_i32_0 = arith.constant 0 : i32
    %c0_i32_1 = arith.constant 0 : i32
    return %c0_i32, %c0_i32_0 : i32, i32
  }
  func.func @transform_13(%arg0: i32, %arg1: i32) -> (i32, i32, i32) {
    %c0_i32 = arith.constant 0 : i32
    %c0_i32_0 = arith.constant 0 : i32
    return %arg0, %arg1, %c0_i32 : i32, i32, i32
  }
}

</mosaic_0001>

<sc_bundles>
// kernel: kernel.11.cloned.1.call-start
scs
__scs_entry_jumppad:
0x0: {  	(pc) =	sbr.rel $0x88, $3  }
0x1: {  	(tag) =	ssettag $0x0;
	lr =	simm.s32 $0x1  }
0x2: {  	[smem:$0x3F90] =	sst lr;
	_ =	strace $0xD0000000  }
0x3: {  	_ = 	snop  }
0x4: {  	_ = 	snop  }
0x5: {  	_ = 	snop  }
0x6: {  	_ = 	snop  }
0x7: {  	_ = 	snop  }
__scs_overlays_trampoline_lowered:
0x8: {  	[smem:$0x3F9F] =	sst s0  }
0x9: {  	[smem:$0x3FA0] =	sst s1  }
0xa: {  	[smem:$0x3FA1] =	sst s2  }
0xb: {  	[smem:$0x3FA2] =	sst s3  }
0xc: {  	[smem:$0x3FA3] =	sst s4  }
0xd: {  	[smem:$0x3FA4] =	sst s5  }
0xe: {  	[smem:$0x3FA5] =	sst s6  }
0xf: {  	[smem:$0x3FA6] =	sst s7  }
0x10: {  	[smem:$0x3FA7] =	sst s8  }
0x11: {  	[smem:$0x3FA8] =	sst s9;
	s0 =	simm.s32 @!p0 $0x0  }
0x12: {  	s1 =	sld [smem:$0x3F8E];
	s0 =	simm.s32 @p0 $0x1  }
0x13: {  	[smem:$0x3FA9] =	sst s0;
	s0 =	simm.s32 @!p1 $0x0  }
0x14: {  	s2 =	sld [smem:$0x3F8D];
	s0 =	simm.s32 @p1 $0x1  }
0x15: {  	[smem:$0x3FAA] =	sst s0;
	s0 =	simm.s32 @!p2 $0x0  }
0x16: {  	s3 =	sld [smem:$0x3FDB];
	s0 =	simm.s32 @p2 $0x1  }
0x17: {  	s4 =	simm.s32 $0x1BF5;
	[smem:$0x3FAC] =	sst s0  }
0x18: {  	s0 =	sld [smem:$0x3F8F];
	_ =	swait.ge [sflag:s4], $0x0  }
0x19: {  	s7 =	sld [smem:$0x3F90]  }
0x1a: {  	s8 =	sadd.s32 $0xFFFFE003, lr  }
0x1b: {  	s9 =	sadd.s32 $0xFFFFFEF7, lr;
	s5 =	simm.s32 $0xFFFFFFFF;
	p2 =	slt.u32 s8, $0xFFFFF086  }
0x1c: {  	p1 =	slt.u32 s9, $0xF7A;
	s5 =	simm.s32 @!p2 $0x0  }
0x1d: {  	s5 =	simm.s32 @p1 $0x1;
	p0 =	seq.s32 s7, s2  }
0x1e: {  	s7 =	smul.u32 @!p0 $0xF7A, s2;
	p2 =	seq.s32 @!p0 s5, $0x0  }
0x1f: {  	s9 =	smul.u32 $0xF7A, s1;
	s8 =	simm.s32 @!p0 $0x1BF5;
	p2 =	por !p2, p0  }
0x20: {  	[sflag:s8] =	ssyncset.s32 @!p0 $0xFFFFF086;
	s6 =	sadd.s32 @!p0 s3, s7;
	s7 =	simm.s32 @!p0 $0x108  }
0x21: {  	s3 =	sadd.s32 s3, s9;
	s6 =	sadd.s32 @!p0 $0x88, s6;
	s7 =	simm.s32 @p2 $0x1082  }
0x22: {  	[simem:s7], [sflag:s8] =	dma.local @!p0 [hbm:s6], $0xF7A  }
0x23: {  	s9 =	sor.u32 $0xD0000000, s2;
	s6 =	simm.s32 $0x108;
	_ =	swait.ge @!p0 [sflag:s8], $0x0  }
0x24: {  	s3 =	sadd.s32 $0x88, s3;
	s6 =	simm.s32 @!p1 $0x1082;
	[sflag:s4] =	ssyncset.s32 $0xFFFFF086  }
0x25: {  	[simem:s6], [sflag:s4] =	dma.local [hbm:s3], $0xF7A  }
0x26: {  	[smem:$0x3F90] =	sst s1;
	(tag) =	ssettag s2;
	_ =	strace s9  }
0x27: {  	s1 =	sld [smem:$0x3FA0]  }
0x28: {  	s2 =	sld [smem:$0x3FA1]  }
0x29: {  	s4 =	sld [smem:$0x3FA3]  }
0x2a: {  	p0 =	seq.s32 s5, $0x0;
	s5 =	sld [smem:$0x3FA4]  }
0x2b: {  	s6 =	sld [smem:$0x3FA5]  }
0x2c: {  	s7 =	sld [smem:$0x3FA6]  }
0x2d: {  	s3 =	simm.s32 $0x108;
	s8 =	sld [smem:$0x3FA7]  }
0x2e: {  	s3 =	simm.s32 @!p0 $0x1082;
	s9 =	sld [smem:$0x3FA8]  }
0x2f: {  	lr =	sadd.s32 s0, s3;
	s0 =	sld [smem:$0x3F9F]  }
0x30: {  	s3 =	sld [smem:$0x3FA2]  }
0x31: {  	[smem:$0x3FAB] =	sst s10  }
0x32: {  	s10 =	sld [smem:$0x3FA9];
	_ =	sdelay $0x3  }
0x33: {  	p0 =	seq.s32 s10, $0x1;
	s10 =	sld [smem:$0x3FAB];
	_ =	sdelay $0x3  }
0x34: {  	[smem:$0x3FAB] =	sst s10  }
0x35: {  	s10 =	sld [smem:$0x3FAA];
	_ =	sdelay $0x3  }
0x36: {  	p1 =	seq.s32 s10, $0x1;
	s10 =	sld [smem:$0x3FAB];
	_ =	sdelay $0x3  }
0x37: {  	[smem:$0x3FAB] =	sst s10  }
0x38: {  	s10 =	sld [smem:$0x3FAC]  }
0x39: {  	_ = 	snop;
	(pc) =	sbr.ind lr, $3  }
0x3a: {  	_ = 	snop  }
0x3b: {  	_ = 	snop  }
0x3c: {  	p2 =	seq.s32 s10, $0x1;
	s10 =	sld [smem:$0x3FAB]  }
0x3d: {  	_ =	shalt  }
0x3e: {  	_ =	shalt  }
0x3f: {  	_ =	shalt  }
0x40: {  	_ =	shalt  }
0x41: {  	_ =	shalt  }
0x42: {  	_ =	shalt  }
0x43: {  	_ =	shalt  }
0x44: {  	_ =	shalt  }
0x45: {  	_ =	shalt  }
0x46: {  	_ =	shalt  }
0x47: {  	_ =	shalt  }
0x48: {  	_ =	shalt  }
0x49: {  	_ =	shalt  }
0x4a: {  	_ =	shalt  }
0x4b: {  	_ =	shalt  }
0x4c: {  	_ =	shalt  }
0x4d: {  	_ =	shalt  }
0x4e: {  	_ =	shalt  }
0x4f: {  	_ =	shalt  }
0x50: {  	_ =	shalt  }
0x51: {  	_ =	shalt  }
0x52: {  	_ =	shalt  }
0x53: {  	_ =	shalt  }
0x54: {  	_ =	shalt  }
0x55: {  	_ =	shalt  }
0x56: {  	_ =	shalt  }
0x57: {  	_ =	shalt  }
0x58: {  	_ =	shalt  }
0x59: {  	_ =	shalt  }
0x5a: {  	_ =	shalt  }
0x5b: {  	_ =	shalt  }
0x5c: {  	_ =	shalt  }
0x5d: {  	_ =	shalt  }
0x5e: {  	_ =	shalt  }
0x5f: {  	_ =	shalt  }
0x60: {  	_ =	shalt  }
0x61: {  	_ =	shalt  }
0x62: {  	_ =	shalt  }
0x63: {  	_ =	shalt  }
0x64: {  	_ =	shalt  }
0x65: {  	_ =	shalt  }
0x66: {  	_ =	shalt  }
0x67: {  	_ =	shalt  }
0x68: {  	_ =	shalt  }
0x69: {  	_ =	shalt  }
0x6a: {  	_ =	shalt  }
0x6b: {  	_ =	shalt  }
0x6c: {  	_ =	shalt  }
0x6d: {  	_ =	shalt  }
0x6e: {  	_ =	shalt  }
0x6f: {  	_ =	shalt  }
0x70: {  	_ =	shalt  }
0x71: {  	_ =	shalt  }
0x72: {  	_ =	shalt  }
0x73: {  	_ =	shalt  }
0x74: {  	_ =	shalt  }
0x75: {  	_ =	shalt  }
0x76: {  	_ =	shalt  }
0x77: {  	_ =	shalt  }
0x78: {  	_ =	shalt  }
0x79: {  	_ =	shalt  }
0x7a: {  	_ =	shalt  }
0x7b: {  	_ =	shalt  }
0x7c: {  	_ =	shalt  }
0x7d: {  	_ =	shalt  }
0x7e: {  	_ =	shalt  }
0x7f: {  	_ =	shalt  }
0x80: {  	_ =	shalt  }
0x81: {  	_ =	shalt  }
0x82: {  	_ =	shalt  }
0x83: {  	_ =	shalt  }
0x84: {  	_ =	shalt  }
0x85: {  	_ =	shalt  }
0x86: {  	_ =	shalt  }
0x87: {  	_ =	shalt  }
.Lfunc_end0:
.L_simem_size_0:
called_computation_lowered:
.L_overlay_start_0:
0x88: {  	s2 =	sld [smem:$0x3FD9]  }
0x89: {  	s3 =	sld [smem:$0x3FFE];
	_ =	sdelay $0x1  }
0x8a: {  	s1 =	srdreg.scid  }
0x8b: {  	s0 =	sand.u32 $0x1, s1  }
0x8c: {  	s17 =	sshll.u32 s0, $0xA;
	s2 =	sadd.s32 s3, s2  }
0x8d: {  	s2 =	sadd.s32 s2, s17  }
0x8e: {  	[smem:$0x3FB7] =	sst s2  }
0x8f: {  	_ = 	snop  }
0x90: {  	s18 =	sld [smem:$0x3FD0];
	(tm) =	ssettm $0x1  }
0x91: {  	s19 =	sld [smem:$0x3FFB];
	_ =	sdelay $0x3  }
0x92: {  	_ =	strace s19  }
0x93: {  	s2 =	sld [smem:$0x3FFC];
	_ =	sdelay $0x3  }
0x94: {  	_ =	strace s2  }
0x95: {  	s2 =	sld [smem:$0x3FFD];
	_ =	sdelay $0x3  }
0x96: {  	_ =	strace s2  }
0x97: {  	_ =	strace $0x8FFFFFFF  }
0x98: {  	s20 =	sld [smem:$0x3FDB];
	_ =	sdelay $0x1  }
0x99: {  	s4 =	simm.s32 $_scs_section_size  }
0x9a: {  	s5 =	simm.s32 $_size__tile_overlayer_lowered;
	s6 =	simm.s32 $_tile_overlayer_lowered  }
0x9b: {  	s7 =	simm.s32 $0x1BFF;
	s21 =	sshll.u32 s6, $0x1;
	s4 =	sadd.s32 s4, s20  }
0x9c: {  	s22 =	simm.s32 $0x0;
	s5 =	sshll.u32 s5, $0x1;
	s6 =	sadd.s32 s21, s4  }
0x9d: {  	[timem:s22], [sflag:s7] =	dma.local [hbm:s6], s5  }
0x9e: {  	_ =	swait.ge [sflag:s7], s5  }
0x9f: {  	s5 =	ssub.s32 $0x0, s5;
	[sflag:s7] =	ssyncset.done $0x0  }
0xa0: {  	[sflag:s7] =	ssyncadd.s32 s5;
	_ =	sdelay $0x1  }
0xa1: {  	s23 =	simm.s32 $0x1B8B  }
0xa2: {  	_ =	swait.ge [sflag:s23], $0x1  }
0xa3: {  	[sflag:s23] =	ssyncset.done $0x0  }
0xa4: {  	[sflag:s23] =	ssyncadd.s32 $0xFFFFFFFF  }
0xa5: {  	s5 =	sld [smem:$0x0]  }
0xa6: {  	s6 =	sand.u32 $0xFFFFFFFE, s1  }
0xa7: {  	p0 =	sne.s32 s1, s6  }
0xa8: {  	s6 =	sshll.u32 @p0 s6, $0xE  }
0xa9: {  	s6 =	sadd.s32 @p0 $0x11B8D, s6;
	s7 =	sshll.u32 @p0 s5, $0x11  }
0xaa: {  	s6 =	sor.u32 @p0 s7, s6  }
0xab: {  	[sflag:s6] =	ssyncadd.remote.s32 @p0 $0x1;
	_ =	sdelay $0x1  }
0xac: {  	s6 =	simm.s32 @p0 $0x1B8D  }
0xad: {  	_ =	swait.eq @p0 [sflag:s6], $0x1  }
0xae: {  	[sflag:s6] =	ssyncadd.s32 @p0 $0xFFFFFFFF  }
0xaf: {  	s7 =	sshll.u32 @!p0 s1, $0xE  }
0xb0: {  	s7 =	sor.u32 @!p0 $0x4000, s7;
	s6 =	simm.s32 @!p0 $0x1B8D  }
0xb1: {  	s5 =	sshll.u32 @!p0 s5, $0x11;
	s7 =	sadd.s32 @!p0 $0x11B8D, s7;
	_ =	swait.eq @!p0 [sflag:s6], $0x1  }
0xb2: {  	s5 =	sor.u32 @!p0 s5, s7;
	[sflag:s6] =	ssyncadd.s32 @!p0 $0xFFFFFFFF  }
0xb3: {  	s25 =	simm.s32 $0x1B8E;
	s24 =	sld [smem:$0x3FFE];
	[sflag:s5] =	ssyncadd.remote.s32 @!p0 $0x1  }
0xb4: {  	s26 =	simm.s32 $execute0_lowered;
	[smem:$0x3FD2] =	sst s25  }
0xb5: {  	s6 =	sshll.u32 s26, $0x1;
	_ =	strace $0x8000004C;
	[dreg:$0x1] =	wrdreg $0xFFFFFFFF  }
0xb6: {  	s28 =	simm.s32 $_size_execute0_lowered;
	s4 =	sadd.s32 s4, s6;
	[dreg:$0x0] =	wrdreg $0x0  }
0xb7: {  	s6 =	sshll.u32 s28, $0x1;
	[dreg:$0x2] =	wrdreg s4  }
0xb8: {  	[dreg:$0x3] =	wrdreg s6  }
0xb9: {  	[dreg:$0x4] =	wrdreg $0xC0  }
0xba: {  	_ =	task [dreg:s22], $0x5FFFF  }
0xbb: {  	[dreg:$0x1] =	wrdreg $0xFFFFFFFF  }
0xbc: {  	[dreg:$0x0] =	wrdreg $0x60  }
0xbd: {  	[dreg:$0x2] =	wrdreg s18  }
0xbe: {  	[dreg:$0x3] =	wrdreg s24  }
0xbf: {  	[dreg:$0x4] =	wrdreg $0x9  }
0xc0: {  	_ =	task.clear_ibuf [dreg:s22], $0x5FFFF;
	_ =	strace $0x9000004C  }
0xc1: {  	s29 =	simm.s32 $0x9;
	_ =	strace $0x8000004E  }
0xc2: {  	_ =	swait.ge [sflag:s29], $0x1  }
0xc3: {  	[sflag:s29] =	ssyncadd.s32 $0xFFFFFFFF  }
0xc4: {  	_ =	strace $0x9000004E  }
0xc5: {  	_ =	sfence  }
0xc6: {  	s30 =	sld [smem:$0x0];
	_ =	sdelay $0x2  }
0xc7: {  	s31 =	sshll.u32 s1, $0xD;
	s1 =	sshrl.u32 s1, $0x2  }
0xc8: {  	s4 =	sand.u32 $0x4000, s31;
	s1 =	sadd.s32 s1, s30  }
0xc9: {  	s0 =	sor.u32 s4, s0;
	s1 =	sshll.u32 s1, $0x11  }
0xca: {  	s0 =	sor.u32 s1, s0  }
0xcb: {  	s0 =	sadd.s32 $0x8F2B, s0  }
0xcc: {  	[sflag:s0] =	ssyncadd.remote.s32 $0x1  }
0xcd: {  	_ =	sfence.sel $0xFFFF  }
0xce: {  	[dreg:$0x0] =	wrdreg $0xFFFFFFFF;
	(pc) =	sbr.abs _section_cstart, $3  }
0xcf: {  	[dreg:$0x1] =	wrdreg $0xFFFFFFFF  }
0xd0: {  	_ =	task.clear_ibuf [dreg:s22], $0x2FFFF;
	_ =	strace $0x9FFFFFFF  }
0xd1: {  	(tm) =	ssettm $0x7FFFFFFF  }
tec
execute0_lowered:
.L_overlay_start_1:
0x0: {  	(tag) =	ssettag $0x1  }
0x1: {  	s2 =	rddreg [dreg:$0x0]  }
0x2: {  	s4 =	rddreg [dreg:$0x1]  }
0x3: {  	s3 =	srdreg.scid;
	s0 =	rddreg [dreg:$0x2]  }
0x4: {  	s1 =	stileid.u32;
	s9 =	simm.s32 $0x1000;
	s10 =	simm.s32 $0x1800  }
0x5: {  	s11 =	simm.s32 $0x2000;
	s12 =	simm.s32 $0x2800;
	s13 =	simm.s32 $0x3000  }
0x6: {  	s14 =	simm.s32 $0x3800;
	s15 =	simm.s32 $0x4000;
	s16 =	simm.s32 $0x4800  }
0x7: {  	s17 =	simm.s32 $0x5000;
	s18 =	simm.s32 $0x5800;
	s19 =	simm.s32 $0x6000  }
0x8: {  	s20 =	simm.s32 $0x6800;
	s21 =	simm.s32 $0x7000;
	s22 =	simm.s32 $0x7800  }
0x9: {  	s23 =	simm.s32 $0x8000;
	s24 =	simm.s32 $0x1;
	s25 =	simm.s32 $0x0  }
0xa: {  	s5 =	sand.u32 $0x1, s3;
	s3 =	simm.s32 $0x0;
	s6 =	sshll.u32 s1, $0xC  }
0xb: {  	s29 =	sshll.u32 s1, $0x11;
	s7 =	sshll.u32 s5, $0xB;
	[smem:$0x7FF] =	sst s3  }
0xc: {  	s8 =	ssub.s32 $0x2, s5;
	s5 =	sshll.u32 s5, $0x10;
	s6 =	sor.u32 s7, s6  }
0xd: {  	_ =	strace $0x8000004D;
	s7 =	sadd.s32 s29, s4;
	s30 =	sshrl.u32 s8, $0x1  }
0xe: {  	v2 =	vlaneseq.u32;
	s6 =	sshrl.u32 s6, $0x3;
	s8 =	ssub.s32 s8, s30;
	s31 =	sadd.s32 s5, s7  }
0xf: {  	vm0 =	vmmov $0xffff;
	v1 =	vshrl.u32 v2, $0x3;
	s7 =	simm.s32 $0x2;
	s6 =	sadd.s32 s6, s4;
	s5 =	smax.u32 s8, $0x1  }
0x10: {  	v0 =	vand.u32 $0x7, v2;
	v2 =	vor.u32 $0x8, v2;
	v1 =	vmul.u32 $0x8, v1;
	s8 =	simm.s32 $0x800;
	s4 =	sadd.s32 $0x16200, s6;
	s6 =	sadd.s32 $0x71800, s31  }
.LBB2_1:
0x11: {  	[tilespmem:s3], [sflag:$0x2] =	stream.linear.gather [hbm4b:s4+s3], $0x800, $0x38;
	[tilespmem:$0x8800] =	vst v63  }
0x12: {  	_ =	swait.ge [sflag:s7], $0x800  }
0x13: {  	[sflag:s7] =	ssyncset.done $0x0  }
0x14: {  	s26 =	simm.s32 $0x40;
	s28 =	simm.s32 $0x0;
	[sflag:s7] =	ssyncadd.s32 $0xFFFFF800  }
.LBB2_2:
0x15: {  	v3 =	vld [tilespmem:s26+$0xFFFFFFC0];
	_ =	sdelay $0x4  }
0x16: {  	v4 =	vshll.u32 v3, $0x1  }
0x17: {  	v3 =	vand.u32 $0x7, v3;
	v4 =	vand.u32 $0xFFFFFFF0, v4  }
0x18: {  	v3 =	vor.u32 v3, v4  }
0x19: {  	v4 =	vperm.xlane v3, v0;
	_ =	sdelay $0x1  }
0x1a: {  	v3 =	vperm.xlane v3, v2;
	v4 =	vadd.s32 v1, v4;
	_ =	sdelay $0x1  }
0x1b: {  	v3 =	vadd.s32 v1, v3;
	_ =	sdelay $0x2  }
0x1c: {  	[tilespmem:s8], [sflag:$0x1] =	stream.indirect_vreg.gather [hbm4b:s2+s3], $0x80, v4, vm0, $0xb8;
	[tilespmem:$0x8800] =	vst v63  }
0x1d: {  	_ = 	snop  }
0x1e: {  	[tilespmem:s9], [sflag:$0x1] =	stream.indirect_vreg.gather [hbm4b:s2+s3], $0x80, v3, vm0, $0xb8;
	[tilespmem:$0x8800] =	vst v63  }
0x1f: {  	v3 =	vld [tilespmem:s26+$0xFFFFFFD0];
	_ =	sdelay $0x4  }
0x20: {  	v57 =	vshll.u32 v3, $0x1  }
0x21: {  	v3 =	vand.u32 $0x7, v3;
	v4 =	vand.u32 $0xFFFFFFF0, v57  }
0x22: {  	v3 =	vor.u32 v3, v4  }
0x23: {  	v4 =	vperm.xlane v3, v0;
	_ =	sdelay $0x1  }
0x24: {  	v3 =	vperm.xlane v3, v2;
	v4 =	vadd.s32 v1, v4;
	_ =	sdelay $0x1  }
0x25: {  	v3 =	vadd.s32 v1, v3;
	_ =	sdelay $0x2  }
0x26: {  	[tilespmem:s10], [sflag:$0x1] =	stream.indirect_vreg.gather [hbm4b:s2+s3], $0x80, v4, vm0, $0xb8;
	[tilespmem:$0x8800] =	vst v63  }
0x27: {  	_ = 	snop  }
0x28: {  	[tilespmem:s11], [sflag:$0x1] =	stream.indirect_vreg.gather [hbm4b:s2+s3], $0x80, v3, vm0, $0xb8;
	[tilespmem:$0x8800] =	vst v63  }
0x29: {  	v3 =	vld [tilespmem:s26+$0xFFFFFFE0];
	_ =	sdelay $0x4  }
0x2a: {  	v58 =	vshll.u32 v3, $0x1  }
0x2b: {  	v3 =	vand.u32 $0x7, v3;
	v4 =	vand.u32 $0xFFFFFFF0, v58  }
0x2c: {  	v3 =	vor.u32 v3, v4  }
0x2d: {  	v4 =	vperm.xlane v3, v0;
	_ =	sdelay $0x1  }
0x2e: {  	v3 =	vperm.xlane v3, v2;
	v4 =	vadd.s32 v1, v4;
	_ =	sdelay $0x1  }
0x2f: {  	v3 =	vadd.s32 v1, v3;
	_ =	sdelay $0x2  }
0x30: {  	[tilespmem:s12], [sflag:$0x1] =	stream.indirect_vreg.gather [hbm4b:s2+s3], $0x80, v4, vm0, $0xb8;
	[tilespmem:$0x8800] =	vst v63  }
0x31: {  	_ = 	snop  }
0x32: {  	[tilespmem:s13], [sflag:$0x1] =	stream.indirect_vreg.gather [hbm4b:s2+s3], $0x80, v3, vm0, $0xb8;
	[tilespmem:$0x8800] =	vst v63  }
0x33: {  	v3 =	vld [tilespmem:s26+$0xFFFFFFF0];
	_ =	sdelay $0x4  }
0x34: {  	v59 =	vshll.u32 v3, $0x1  }
0x35: {  	v3 =	vand.u32 $0x7, v3;
	v4 =	vand.u32 $0xFFFFFFF0, v59  }
0x36: {  	v3 =	vor.u32 v3, v4  }
0x37: {  	v4 =	vperm.xlane v3, v0;
	_ =	sdelay $0x1  }
0x38: {  	v3 =	vperm.xlane v3, v2;
	v4 =	vadd.s32 v1, v4;
	_ =	sdelay $0x1  }
0x39: {  	v3 =	vadd.s32 v1, v3;
	_ =	sdelay $0x2  }
0x3a: {  	[tilespmem:s14], [sflag:$0x1] =	stream.indirect_vreg.gather [hbm4b:s2+s3], $0x80, v4, vm0, $0xb8;
	[tilespmem:$0x8800] =	vst v63  }
0x3b: {  	_ = 	snop  }
0x3c: {  	[tilespmem:s15], [sflag:$0x1] =	stream.indirect_vreg.gather [hbm4b:s2+s3], $0x80, v3, vm0, $0xb8;
	[tilespmem:$0x8800] =	vst v63  }
0x3d: {  	v3 =	vld [tilespmem:s26+$0x0];
	_ =	sdelay $0x4  }
0x3e: {  	v60 =	vshll.u32 v3, $0x1  }
0x3f: {  	v3 =	vand.u32 $0x7, v3;
	v4 =	vand.u32 $0xFFFFFFF0, v60  }
0x40: {  	v3 =	vor.u32 v3, v4  }
0x41: {  	v4 =	vperm.xlane v3, v0;
	_ =	sdelay $0x1  }
0x42: {  	v3 =	vperm.xlane v3, v2;
	v4 =	vadd.s32 v1, v4;
	_ =	sdelay $0x1  }
0x43: {  	v3 =	vadd.s32 v1, v3;
	_ =	sdelay $0x2  }
0x44: {  	[tilespmem:s16], [sflag:$0x1] =	stream.indirect_vreg.gather [hbm4b:s2+s3], $0x80, v4, vm0, $0xb8;
	[tilespmem:$0x8800] =	vst v63  }
0x45: {  	_ = 	snop  }
0x46: {  	[tilespmem:s17], [sflag:$0x1] =	stream.indirect_vreg.gather [hbm4b:s2+s3], $0x80, v3, vm0, $0xb8;
	[tilespmem:$0x8800] =	vst v63  }
0x47: {  	v3 =	vld [tilespmem:s26+$0x10];
	_ =	sdelay $0x4  }
0x48: {  	v61 =	vshll.u32 v3, $0x1  }
0x49: {  	v3 =	vand.u32 $0x7, v3;
	v4 =	vand.u32 $0xFFFFFFF0, v61  }
0x4a: {  	v3 =	vor.u32 v3, v4  }
0x4b: {  	v4 =	vperm.xlane v3, v0;
	_ =	sdelay $0x1  }
0x4c: {  	v3 =	vperm.xlane v3, v2;
	v4 =	vadd.s32 v1, v4;
	_ =	sdelay $0x1  }
0x4d: {  	v3 =	vadd.s32 v1, v3;
	_ =	sdelay $0x2  }
0x4e: {  	[tilespmem:s18], [sflag:$0x1] =	stream.indirect_vreg.gather [hbm4b:s2+s3], $0x80, v4, vm0, $0xb8;
	[tilespmem:$0x8800] =	vst v63  }
0x4f: {  	_ = 	snop  }
0x50: {  	[tilespmem:s19], [sflag:$0x1] =	stream.indirect_vreg.gather [hbm4b:s2+s3], $0x80, v3, vm0, $0xb8;
	[tilespmem:$0x8800] =	vst v63  }
0x51: {  	v3 =	vld [tilespmem:s26+$0x20];
	_ =	sdelay $0x4  }
0x52: {  	v62 =	vshll.u32 v3, $0x1  }
0x53: {  	v3 =	vand.u32 $0x7, v3;
	v4 =	vand.u32 $0xFFFFFFF0, v62  }
0x54: {  	v3 =	vor.u32 v3, v4  }
0x55: {  	v4 =	vperm.xlane v3, v0;
	_ =	sdelay $0x1  }
0x56: {  	v3 =	vperm.xlane v3, v2;
	v4 =	vadd.s32 v1, v4;
	_ =	sdelay $0x1  }
0x57: {  	v3 =	vadd.s32 v1, v3;
	_ =	sdelay $0x2  }
0x58: {  	[tilespmem:s20], [sflag:$0x1] =	stream.indirect_vreg.gather [hbm4b:s2+s3], $0x80, v4, vm0, $0xb8;
	[tilespmem:$0x8800] =	vst v63  }
0x59: {  	_ = 	snop  }
0x5a: {  	[tilespmem:s21], [sflag:$0x1] =	stream.indirect_vreg.gather [hbm4b:s2+s3], $0x80, v3, vm0, $0xb8;
	[tilespmem:$0x8800] =	vst v63  }
0x5b: {  	v3 =	vld [tilespmem:s26+$0x30];
	_ =	sdelay $0x4  }
0x5c: {  	v63 =	vshll.u32 v3, $0x1  }
0x5d: {  	v3 =	vand.u32 $0x7, v3;
	v4 =	vand.u32 $0xFFFFFFF0, v63  }
0x5e: {  	v3 =	vor.u32 v3, v4  }
0x5f: {  	v4 =	vperm.xlane v3, v0;
	_ =	sdelay $0x1  }
0x60: {  	v3 =	vperm.xlane v3, v2;
	v4 =	vadd.s32 v1, v4;
	_ =	sdelay $0x1  }
0x61: {  	v3 =	vadd.s32 v1, v3;
	_ =	sdelay $0x2  }
0x62: {  	[tilespmem:s22], [sflag:$0x1] =	stream.indirect_vreg.gather [hbm4b:s2+s3], $0x80, v4, vm0, $0xb8;
	[tilespmem:$0x8800] =	vst v63  }
0x63: {  	_ = 	snop  }
0x64: {  	[tilespmem:s23], [sflag:$0x1] =	stream.indirect_vreg.gather [hbm4b:s2+s3], $0x80, v3, vm0, $0xb8;
	[tilespmem:$0x8800] =	vst v63  }
0x65: {  	_ =	swait.ge [sflag:s24], $0x8000  }
0x66: {  	p0 =	sne.s32 s28, $0xF000;
	[sflag:s24] =	ssyncset.done $0x0  }
.Ltmp0:
0x67: {  	s29 =	sadd.s32 s28, s6;
	[sflag:s24] =	ssyncadd.s32 $0xFFFF8000;
	(pc) =	sbr.rel @p0 .LBB2_2-.Ltmp0, $4  }
0x68: {  	[hbm4b:s29+s3] =	stream.linear.scatter [tilespmem:s8], [sflag:$0x2], $0x8000, $0x38;
	[tilespmem:$0x8800] =	vst v63  }
0x69: {  	_ =	swait.ge [sflag:s7], $0x8000  }
0x6a: {  	[sflag:s7] =	ssyncset.done $0x0  }
0x6b: {  	s28 =	sadd.s32 $0x1000, s28;
	s26 =	sadd.s32 $0x80, s26;
	[sflag:s7] =	ssyncadd.s32 $0xFFFF8000  }
0x6c: {  	s25 =	sadd.s32 $0x1, s25  }
0x6d: {  	p0 =	sne.s32 s25, s5  }
.Ltmp1:
0x6e: {  	_ = 	snop;
	(pc) =	sbr.rel @p0 .LBB2_1-.Ltmp1, $1  }
0x6f: {  	_ =	sdelay $0x3  }
0x70: {  	_ =	sfence.sel $0x180000  }
0x71: {  	[bflag:$0x0] =	sbarrier.arrive $0xFFFF  }
0x72: {  	p0 =	sne.s32 s1, $0x0;
	_ =	strace $0x9000004D  }
0x73: {  	s0 =	sadd.s32 @!p0 $0x100000, s0;
	[bflag:$0x2] =	sbarrier.arrive $0xFFFF  }
0x74: {  	[sflag:s0] =	ssyncadd.tile.s32 @!p0 $0x1;
	_ =	shalt  }
.Lfunc_end2:
_tile_overlayer_lowered:
.L_overlay_start_2:
0x75: {  	(tag) =	ssettag $0x2  }
0x76: {  	s0 =	rddreg [dreg:$0x0];
	s2 =	stileid.u32  }
0x77: {  	s1 =	rddreg [dreg:$0x1];
	p0 =	sne.s32 s2, $0x0  }
0x78: {  	s3 =	rddreg [dreg:$0x2];
	[bflag:$0x3] =	sbarrier.arrive $0xFFFF;
	s2 =	simm.s32 @!p0 $0x1C02  }
0x79: {  	[timem:s3], [sflag:s2] =	dma.local @!p0 [hbm:s0], s1  }
0x7a: {  	s0 =	simm.s32 @!p0 $0x2  }
0x7b: {  	_ =	swait.ge @!p0 [sflag:s0], s1  }
0x7c: {  	s1 =	ssub.s32 @!p0 $0x0, s1;
	[sflag:s0] =	ssyncset.done @!p0 $0x0  }
0x7d: {  	[sflag:s0] =	ssyncadd.s32 @!p0 s1  }
0x7e: {  	[bflag:$0x3] =	sbarrier.arrive $0xFFFF  }
0x7f: {  	_ =	shalt  }

// kernel: kernel.14.cloned.1.call-start
scs
__scs_entry_jumppad:
0x0: {  	(pc) =	sbr.rel $0x88, $3  }
0x1: {  	(tag) =	ssettag $0x0;
	lr =	simm.s32 $0x1  }
0x2: {  	[smem:$0x3F90] =	sst lr;
	_ =	strace $0xD0000000  }
0x3: {  	_ = 	snop  }
0x4: {  	_ = 	snop  }
0x5: {  	_ = 	snop  }
0x6: {  	_ = 	snop  }
0x7: {  	_ = 	snop  }
__scs_overlays_trampoline_lowered:
0x8: {  	[smem:$0x3F9F] =	sst s0  }
0x9: {  	[smem:$0x3FA0] =	sst s1  }
0xa: {  	[smem:$0x3FA1] =	sst s2  }
0xb: {  	[smem:$0x3FA2] =	sst s3  }
0xc: {  	[smem:$0x3FA3] =	sst s4  }
0xd: {  	[smem:$0x3FA4] =	sst s5  }
0xe: {  	[smem:$0x3FA5] =	sst s6  }
0xf: {  	[smem:$0x3FA6] =	sst s7  }
0x10: {  	[smem:$0x3FA7] =	sst s8  }
0x11: {  	[smem:$0x3FA8] =	sst s9;
	s0 =	simm.s32 @!p0 $0x0  }
0x12: {  	s1 =	sld [smem:$0x3F8E];
	s0 =	simm.s32 @p0 $0x1  }
0x13: {  	[smem:$0x3FA9] =	sst s0;
	s0 =	simm.s32 @!p1 $0x0  }
0x14: {  	s2 =	sld [smem:$0x3F8D];
	s0 =	simm.s32 @p1 $0x1  }
0x15: {  	[smem:$0x3FAA] =	sst s0;
	s0 =	simm.s32 @!p2 $0x0  }
0x16: {  	s3 =	sld [smem:$0x3FDB];
	s0 =	simm.s32 @p2 $0x1  }
0x17: {  	s4 =	simm.s32 $0x1BF5;
	[smem:$0x3FAC] =	sst s0  }
0x18: {  	s0 =	sld [smem:$0x3F8F];
	_ =	swait.ge [sflag:s4], $0x0  }
0x19: {  	s7 =	sld [smem:$0x3F90]  }
0x1a: {  	s8 =	sadd.s32 $0xFFFFE003, lr  }
0x1b: {  	s9 =	sadd.s32 $0xFFFFFEF7, lr;
	s5 =	simm.s32 $0xFFFFFFFF;
	p2 =	slt.u32 s8, $0xFFFFF086  }
0x1c: {  	p1 =	slt.u32 s9, $0xF7A;
	s5 =	simm.s32 @!p2 $0x0  }
0x1d: {  	s5 =	simm.s32 @p1 $0x1;
	p0 =	seq.s32 s7, s2  }
0x1e: {  	s7 =	smul.u32 @!p0 $0xF7A, s2;
	p2 =	seq.s32 @!p0 s5, $0x0  }
0x1f: {  	s9 =	smul.u32 $0xF7A, s1;
	s8 =	simm.s32 @!p0 $0x1BF5;
	p2 =	por !p2, p0  }
0x20: {  	[sflag:s8] =	ssyncset.s32 @!p0 $0xFFFFF086;
	s6 =	sadd.s32 @!p0 s3, s7;
	s7 =	simm.s32 @!p0 $0x108  }
0x21: {  	s3 =	sadd.s32 s3, s9;
	s6 =	sadd.s32 @!p0 $0x88, s6;
	s7 =	simm.s32 @p2 $0x1082  }
0x22: {  	[simem:s7], [sflag:s8] =	dma.local @!p0 [hbm:s6], $0xF7A  }
0x23: {  	s9 =	sor.u32 $0xD0000000, s2;
	s6 =	simm.s32 $0x108;
	_ =	swait.ge @!p0 [sflag:s8], $0x0  }
0x24: {  	s3 =	sadd.s32 $0x88, s3;
	s6 =	simm.s32 @!p1 $0x1082;
	[sflag:s4] =	ssyncset.s32 $0xFFFFF086  }
0x25: {  	[simem:s6], [sflag:s4] =	dma.local [hbm:s3], $0xF7A  }
0x26: {  	[smem:$0x3F90] =	sst s1;
	(tag) =	ssettag s2;
	_ =	strace s9  }
0x27: {  	s1 =	sld [smem:$0x3FA0]  }
0x28: {  	s2 =	sld [smem:$0x3FA1]  }
0x29: {  	s4 =	sld [smem:$0x3FA3]  }
0x2a: {  	p0 =	seq.s32 s5, $0x0;
	s5 =	sld [smem:$0x3FA4]  }
0x2b: {  	s6 =	sld [smem:$0x3FA5]  }
0x2c: {  	s7 =	sld [smem:$0x3FA6]  }
0x2d: {  	s3 =	simm.s32 $0x108;
	s8 =	sld [smem:$0x3FA7]  }
0x2e: {  	s3 =	simm.s32 @!p0 $0x1082;
	s9 =	sld [smem:$0x3FA8]  }
0x2f: {  	lr =	sadd.s32 s0, s3;
	s0 =	sld [smem:$0x3F9F]  }
0x30: {  	s3 =	sld [smem:$0x3FA2]  }
0x31: {  	[smem:$0x3FAB] =	sst s10  }
0x32: {  	s10 =	sld [smem:$0x3FA9];
	_ =	sdelay $0x3  }
0x33: {  	p0 =	seq.s32 s10, $0x1;
	s10 =	sld [smem:$0x3FAB];
	_ =	sdelay $0x3  }
0x34: {  	[smem:$0x3FAB] =	sst s10  }
0x35: {  	s10 =	sld [smem:$0x3FAA];
	_ =	sdelay $0x3  }
0x36: {  	p1 =	seq.s32 s10, $0x1;
	s10 =	sld [smem:$0x3FAB];
	_ =	sdelay $0x3  }
0x37: {  	[smem:$0x3FAB] =	sst s10  }
0x38: {  	s10 =	sld [smem:$0x3FAC]  }
0x39: {  	_ = 	snop;
	(pc) =	sbr.ind lr, $3  }
0x3a: {  	_ = 	snop  }
0x3b: {  	_ = 	snop  }
0x3c: {  	p2 =	seq.s32 s10, $0x1;
	s10 =	sld [smem:$0x3FAB]  }
0x3d: {  	_ =	shalt  }
0x3e: {  	_ =	shalt  }
0x3f: {  	_ =	shalt  }
0x40: {  	_ =	shalt  }
0x41: {  	_ =	shalt  }
0x42: {  	_ =	shalt  }
0x43: {  	_ =	shalt  }
0x44: {  	_ =	shalt  }
0x45: {  	_ =	shalt  }
0x46: {  	_ =	shalt  }
0x47: {  	_ =	shalt  }
0x48: {  	_ =	shalt  }
0x49: {  	_ =	shalt  }
0x4a: {  	_ =	shalt  }
0x4b: {  	_ =	shalt  }
0x4c: {  	_ =	shalt  }
0x4d: {  	_ =	shalt  }
0x4e: {  	_ =	shalt  }
0x4f: {  	_ =	shalt  }
0x50: {  	_ =	shalt  }
0x51: {  	_ =	shalt  }
0x52: {  	_ =	shalt  }
0x53: {  	_ =	shalt  }
0x54: {  	_ =	shalt  }
0x55: {  	_ =	shalt  }
0x56: {  	_ =	shalt  }
0x57: {  	_ =	shalt  }
0x58: {  	_ =	shalt  }
0x59: {  	_ =	shalt  }
0x5a: {  	_ =	shalt  }
0x5b: {  	_ =	shalt  }
0x5c: {  	_ =	shalt  }
0x5d: {  	_ =	shalt  }
0x5e: {  	_ =	shalt  }
0x5f: {  	_ =	shalt  }
0x60: {  	_ =	shalt  }
0x61: {  	_ =	shalt  }
0x62: {  	_ =	shalt  }
0x63: {  	_ =	shalt  }
0x64: {  	_ =	shalt  }
0x65: {  	_ =	shalt  }
0x66: {  	_ =	shalt  }
0x67: {  	_ =	shalt  }
0x68: {  	_ =	shalt  }
0x69: {  	_ =	shalt  }
0x6a: {  	_ =	shalt  }
0x6b: {  	_ =	shalt  }
0x6c: {  	_ =	shalt  }
0x6d: {  	_ =	shalt  }
0x6e: {  	_ =	shalt  }
0x6f: {  	_ =	shalt  }
0x70: {  	_ =	shalt  }
0x71: {  	_ =	shalt  }
0x72: {  	_ =	shalt  }
0x73: {  	_ =	shalt  }
0x74: {  	_ =	shalt  }
0x75: {  	_ =	shalt  }
0x76: {  	_ =	shalt  }
0x77: {  	_ =	shalt  }
0x78: {  	_ =	shalt  }
0x79: {  	_ =	shalt  }
0x7a: {  	_ =	shalt  }
0x7b: {  	_ =	shalt  }
0x7c: {  	_ =	shalt  }
0x7d: {  	_ =	shalt  }
0x7e: {  	_ =	shalt  }
0x7f: {  	_ =	shalt  }
0x80: {  	_ =	shalt  }
0x81: {  	_ =	shalt  }
0x82: {  	_ =	shalt  }
0x83: {  	_ =	shalt  }
0x84: {  	_ =	shalt  }
0x85: {  	_ =	shalt  }
0x86: {  	_ =	shalt  }
0x87: {  	_ =	shalt  }
.Lfunc_end0:
.L_simem_size_0:
called_computation.1_lowered:
.L_overlay_start_0:
0x88: {  	s2 =	sld [smem:$0x3FD9]  }
0x89: {  	s3 =	sld [smem:$0x3FFE];
	_ =	sdelay $0x1  }
0x8a: {  	s1 =	srdreg.scid  }
0x8b: {  	s0 =	sand.u32 $0x1, s1  }
0x8c: {  	s16 =	sshll.u32 s0, $0xA;
	s2 =	sadd.s32 s3, s2  }
0x8d: {  	s2 =	sadd.s32 s2, s16  }
0x8e: {  	[smem:$0x3FB7] =	sst s2  }
0x8f: {  	_ = 	snop  }
0x90: {  	(tm) =	ssettm $0x1  }
0x91: {  	s17 =	sld [smem:$0x3FFB];
	_ =	sdelay $0x3  }
0x92: {  	_ =	strace s17  }
0x93: {  	s2 =	sld [smem:$0x3FFC];
	_ =	sdelay $0x3  }
0x94: {  	_ =	strace s2  }
0x95: {  	s2 =	sld [smem:$0x3FFD];
	_ =	sdelay $0x3  }
0x96: {  	_ =	strace s2  }
0x97: {  	_ =	strace $0x8FFFFFFF  }
0x98: {  	s18 =	sld [smem:$0x3FDB];
	_ =	sdelay $0x1  }
0x99: {  	s19 =	simm.s32 $_scs_section_size  }
0x9a: {  	s4 =	simm.s32 $_size__tile_overlayer_lowered;
	s5 =	simm.s32 $_tile_overlayer_lowered  }
0x9b: {  	s22 =	simm.s32 $0x1BFF;
	s21 =	sshll.u32 s5, $0x1;
	s2 =	sadd.s32 s19, s18  }
0x9c: {  	s6 =	simm.s32 $0x0;
	s20 =	sshll.u32 s4, $0x1;
	s4 =	sadd.s32 s21, s2  }
0x9d: {  	[timem:s6], [sflag:s22] =	dma.local [hbm:s4], s20  }
0x9e: {  	_ =	swait.ge [sflag:s22], s20  }
0x9f: {  	s3 =	ssub.s32 $0x0, s20;
	[sflag:s22] =	ssyncset.done $0x0  }
0xa0: {  	[sflag:s22] =	ssyncadd.s32 s3;
	_ =	sdelay $0x1  }
0xa1: {  	s23 =	simm.s32 $0x1B8B  }
0xa2: {  	_ =	swait.ge [sflag:s23], $0x1  }
0xa3: {  	[sflag:s23] =	ssyncset.done $0x0  }
0xa4: {  	s25 =	simm.s32 $0x1B8E;
	s24 =	sld [smem:$0x3FFE];
	[sflag:s23] =	ssyncadd.s32 $0xFFFFFFFF  }
0xa5: {  	s26 =	simm.s32 $execute0_lowered;
	[smem:$0x3FD2] =	sst s25  }
0xa6: {  	s4 =	sshll.u32 s26, $0x1;
	_ =	strace $0x80000046;
	[dreg:$0x1] =	wrdreg $0xFFFFFFFF  }
0xa7: {  	s28 =	simm.s32 $_size_execute0_lowered;
	s2 =	sadd.s32 s2, s4;
	[dreg:$0x0] =	wrdreg $0x0  }
0xa8: {  	s4 =	sshll.u32 s28, $0x1;
	[dreg:$0x2] =	wrdreg s2  }
0xa9: {  	[dreg:$0x3] =	wrdreg s4  }
0xaa: {  	[dreg:$0x4] =	wrdreg $0xC0  }
0xab: {  	_ =	task [dreg:s6], $0x5FFFF  }
0xac: {  	[dreg:$0x1] =	wrdreg $0xFFFFFFFF  }
0xad: {  	[dreg:$0x0] =	wrdreg $0x60  }
0xae: {  	[dreg:$0x2] =	wrdreg s24  }
0xaf: {  	[dreg:$0x3] =	wrdreg $0xA  }
0xb0: {  	_ =	task.clear_ibuf [dreg:s6], $0x4FFFF;
	_ =	strace $0x90000046  }
0xb1: {  	s29 =	simm.s32 $0xA;
	_ =	strace $0x80000048  }
0xb2: {  	_ =	swait.ge [sflag:s29], $0x1  }
0xb3: {  	[sflag:s29] =	ssyncadd.s32 $0xFFFFFFFF  }
0xb4: {  	_ =	strace $0x90000048  }
0xb5: {  	_ =	sfence  }
0xb6: {  	s30 =	sld [smem:$0x0];
	_ =	sdelay $0x2  }
0xb7: {  	s31 =	sshll.u32 s1, $0xD;
	s1 =	sshrl.u32 s1, $0x2  }
0xb8: {  	s3 =	sand.u32 $0x4000, s31;
	s1 =	sadd.s32 s1, s30  }
0xb9: {  	s0 =	sor.u32 s3, s0;
	s1 =	sshll.u32 s1, $0x11  }
0xba: {  	s0 =	sor.u32 s1, s0  }
0xbb: {  	s0 =	sadd.s32 $0x8F2B, s0  }
0xbc: {  	[sflag:s0] =	ssyncadd.remote.s32 $0x1  }
0xbd: {  	_ =	sfence.sel $0xFFFF  }
0xbe: {  	[dreg:$0x0] =	wrdreg $0xFFFFFFFF;
	(pc) =	sbr.abs _section_cstart, $3  }
0xbf: {  	[dreg:$0x1] =	wrdreg $0xFFFFFFFF  }
0xc0: {  	_ =	task.clear_ibuf [dreg:s6], $0x2FFFF;
	_ =	strace $0x9FFFFFFF  }
0xc1: {  	(tm) =	ssettm $0x7FFFFFFF  }
tec
execute0_lowered:
.L_overlay_start_1:
0x0: {  	(tag) =	ssettag $0x1  }
0x1: {  	s4 =	rddreg [dreg:$0x0]  }
0x2: {  	s0 =	rddreg [dreg:$0x1]  }
0x3: {  	s3 =	srdreg.scid;
	s2 =	simm.s32 $0x0;
	s1 =	stileid.u32  }
0x4: {  	s10 =	simm.s32 $0x1;
	s11 =	simm.s32 $0x0;
	s5 =	sand.u32 $0x1, s3  }
0x5: {  	[smem:$0x7FF] =	sst s2;
	s29 =	sshll.u32 s1, $0xC;
	s3 =	sadd.s32 $0x18200, s4  }
0x6: {  	s8 =	sshll.u32 s1, $0xD;
	s6 =	sshll.u32 s5, $0xB;
	_ =	strace $0x80000047  }
0x7: {  	s7 =	ssub.s32 $0x2, s5;
	s8 =	sadd.s32 s8, s4;
	s30 =	sshll.u32 s5, $0xC  }
0x8: {  	s6 =	sor.u32 s6, s29;
	s9 =	sshrl.u32 s7, $0x1;
	s31 =	sadd.s32 s30, s8  }
0x9: {  	s8 =	simm.s32 $0x80;
	s6 =	sshrl.u32 s6, $0x3;
	s7 =	ssub.s32 s7, s9  }
0xa: {  	s9 =	simm.s32 $0x800;
	s6 =	sadd.s32 s6, s4;
	s5 =	smax.u32 s7, $0x1  }
0xb: {  	s7 =	simm.s32 $0x2;
	s4 =	sadd.s32 $0x16200, s6;
	s6 =	sadd.s32 $0x1C200, s31  }
.LBB2_1:
0xc: {  	[tilespmem:s2], [sflag:$0x2] =	stream.linear.gather [hbm4b:s4+s2], $0x800, $0x38;
	[tilespmem:$0x1000] =	vst v63  }
0xd: {  	_ =	swait.ge [sflag:s7], $0x800  }
0xe: {  	[sflag:s7] =	ssyncset.done $0x0  }
0xf: {  	[sflag:s7] =	ssyncadd.s32 $0xFFFFF800  }
0x10: {  	[tilespmem:s9], [sflag:$0x1] =	stream.indirect.gather [hbm4b:s3+s8], $0x10, s2, s8, $0xb8;
	[tilespmem:$0x1000] =	vst v63  }
0x11: {  	_ =	swait.ge [sflag:s10], $0x800  }
0x12: {  	[sflag:s10] =	ssyncset.done $0x0  }
0x13: {  	s12 =	sadd.s32 $0x0, s6;
	[sflag:s10] =	ssyncadd.s32 $0xFFFFF800  }
0x14: {  	[hbm4b:s12+s2] =	stream.linear.scatter [tilespmem:s9], [sflag:$0x2], $0x800, $0x38;
	[tilespmem:$0x1000] =	vst v63  }
0x15: {  	_ =	swait.ge [sflag:s7], $0x800  }
0x16: {  	s13 =	simm.s32 $0x0;
	s12 =	simm.s32 $0x100;
	[sflag:s7] =	ssyncset.done $0x0  }
.LBB2_2:
0x17: {  	p0 =	sne.s32 s12, $0xF00;
	[sflag:s7] =	ssyncadd.s32 $0xFFFFF800;
	s13 =	sadd.s32 $0x80, s13  }
0x18: {  	[tilespmem:s9], [sflag:$0x1] =	stream.indirect.gather [hbm4b:s3+s8], $0x10, s13, s8, $0xb8;
	[tilespmem:$0x1000] =	vst v63  }
0x19: {  	s14 =	smov.u32 s12;
	s12 =	sadd.s32 $0x100, s12;
	_ =	swait.ge [sflag:s10], $0x800  }
.Ltmp0:
0x1a: {  	[sflag:s10] =	ssyncset.done $0x0;
	(pc) =	sbr.rel @p0 .LBB2_2-.Ltmp0, $4  }
0x1b: {  	s14 =	sadd.s32 s14, s6;
	[sflag:s10] =	ssyncadd.s32 $0xFFFFF800  }
0x1c: {  	[hbm4b:s14+s2] =	stream.linear.scatter [tilespmem:s9], [sflag:$0x2], $0x800, $0x38;
	[tilespmem:$0x1000] =	vst v63  }
0x1d: {  	_ =	swait.ge [sflag:s7], $0x800  }
0x1e: {  	[sflag:s7] =	ssyncset.done $0x0  }
0x1f: {  	s11 =	sadd.s32 $0x1, s11  }
0x20: {  	p0 =	sne.s32 s11, s5  }
.Ltmp1:
0x21: {  	_ = 	snop;
	(pc) =	sbr.rel @p0 .LBB2_1-.Ltmp1, $2  }
0x22: {  	_ =	sdelay $0x2  }
0x23: {  	[sflag:s7] =	ssyncadd.s32 $0xFFFFF800  }
0x24: {  	_ =	sfence.sel $0x180000  }
0x25: {  	[bflag:$0x0] =	sbarrier.arrive $0xFFFF  }
0x26: {  	p0 =	sne.s32 s1, $0x0;
	_ =	strace $0x90000047  }
0x27: {  	s0 =	sadd.s32 @!p0 $0x100000, s0;
	[bflag:$0x2] =	sbarrier.arrive $0xFFFF  }
0x28: {  	[sflag:s0] =	ssyncadd.tile.s32 @!p0 $0x1;
	_ =	shalt  }
.Lfunc_end2:
_tile_overlayer_lowered:
.L_overlay_start_2:
0x29: {  	(tag) =	ssettag $0x2  }
0x2a: {  	s0 =	rddreg [dreg:$0x0];
	s2 =	stileid.u32  }
0x2b: {  	s1 =	rddreg [dreg:$0x1];
	p0 =	sne.s32 s2, $0x0  }
0x2c: {  	s3 =	rddreg [dreg:$0x2];
	[bflag:$0x3] =	sbarrier.arrive $0xFFFF;
	s2 =	simm.s32 @!p0 $0x1C02  }
0x2d: {  	[timem:s3], [sflag:s2] =	dma.local @!p0 [hbm:s0], s1  }
0x2e: {  	s0 =	simm.s32 @!p0 $0x2  }
0x2f: {  	_ =	swait.ge @!p0 [sflag:s0], s1  }
0x30: {  	s1 =	ssub.s32 @!p0 $0x0, s1;
	[sflag:s0] =	ssyncset.done @!p0 $0x0  }
0x31: {  	[sflag:s0] =	ssyncadd.s32 @!p0 s1  }
0x32: {  	[bflag:$0x3] =	sbarrier.arrive $0xFFFF  }
0x33: {  	_ =	shalt  }

// kernel: kernel.17.cloned.1.call-start
scs
__scs_entry_jumppad:
0x0: {  	(pc) =	sbr.rel $0x88, $3  }
0x1: {  	(tag) =	ssettag $0x0;
	lr =	simm.s32 $0x1  }
0x2: {  	[smem:$0x3F90] =	sst lr;
	_ =	strace $0xD0000000  }
0x3: {  	_ = 	snop  }
0x4: {  	_ = 	snop  }
0x5: {  	_ = 	snop  }
0x6: {  	_ = 	snop  }
0x7: {  	_ = 	snop  }
__scs_overlays_trampoline_lowered:
0x8: {  	[smem:$0x3F9F] =	sst s0  }
0x9: {  	[smem:$0x3FA0] =	sst s1  }
0xa: {  	[smem:$0x3FA1] =	sst s2  }
0xb: {  	[smem:$0x3FA2] =	sst s3  }
0xc: {  	[smem:$0x3FA3] =	sst s4  }
0xd: {  	[smem:$0x3FA4] =	sst s5  }
0xe: {  	[smem:$0x3FA5] =	sst s6  }
0xf: {  	[smem:$0x3FA6] =	sst s7  }
0x10: {  	[smem:$0x3FA7] =	sst s8  }
0x11: {  	[smem:$0x3FA8] =	sst s9;
	s0 =	simm.s32 @!p0 $0x0  }
0x12: {  	s1 =	sld [smem:$0x3F8E];
	s0 =	simm.s32 @p0 $0x1  }
0x13: {  	[smem:$0x3FA9] =	sst s0;
	s0 =	simm.s32 @!p1 $0x0  }
0x14: {  	s2 =	sld [smem:$0x3F8D];
	s0 =	simm.s32 @p1 $0x1  }
0x15: {  	[smem:$0x3FAA] =	sst s0;
	s0 =	simm.s32 @!p2 $0x0  }
0x16: {  	s3 =	sld [smem:$0x3FDB];
	s0 =	simm.s32 @p2 $0x1  }
0x17: {  	s4 =	simm.s32 $0x1BF5;
	[smem:$0x3FAC] =	sst s0  }
0x18: {  	s0 =	sld [smem:$0x3F8F];
	_ =	swait.ge [sflag:s4], $0x0  }
0x19: {  	s7 =	sld [smem:$0x3F90]  }
0x1a: {  	s8 =	sadd.s32 $0xFFFFE003, lr  }
0x1b: {  	s9 =	sadd.s32 $0xFFFFFEF7, lr;
	s5 =	simm.s32 $0xFFFFFFFF;
	p2 =	slt.u32 s8, $0xFFFFF086  }
0x1c: {  	p1 =	slt.u32 s9, $0xF7A;
	s5 =	simm.s32 @!p2 $0x0  }
0x1d: {  	s5 =	simm.s32 @p1 $0x1;
	p0 =	seq.s32 s7, s2  }
0x1e: {  	s7 =	smul.u32 @!p0 $0xF7A, s2;
	p2 =	seq.s32 @!p0 s5, $0x0  }
0x1f: {  	s9 =	smul.u32 $0xF7A, s1;
	s8 =	simm.s32 @!p0 $0x1BF5;
	p2 =	por !p2, p0  }
0x20: {  	[sflag:s8] =	ssyncset.s32 @!p0 $0xFFFFF086;
	s6 =	sadd.s32 @!p0 s3, s7;
	s7 =	simm.s32 @!p0 $0x108  }
0x21: {  	s3 =	sadd.s32 s3, s9;
	s6 =	sadd.s32 @!p0 $0x88, s6;
	s7 =	simm.s32 @p2 $0x1082  }
0x22: {  	[simem:s7], [sflag:s8] =	dma.local @!p0 [hbm:s6], $0xF7A  }
0x23: {  	s9 =	sor.u32 $0xD0000000, s2;
	s6 =	simm.s32 $0x108;
	_ =	swait.ge @!p0 [sflag:s8], $0x0  }
0x24: {  	s3 =	sadd.s32 $0x88, s3;
	s6 =	simm.s32 @!p1 $0x1082;
	[sflag:s4] =	ssyncset.s32 $0xFFFFF086  }
0x25: {  	[simem:s6], [sflag:s4] =	dma.local [hbm:s3], $0xF7A  }
0x26: {  	[smem:$0x3F90] =	sst s1;
	(tag) =	ssettag s2;
	_ =	strace s9  }
0x27: {  	s1 =	sld [smem:$0x3FA0]  }
0x28: {  	s2 =	sld [smem:$0x3FA1]  }
0x29: {  	s4 =	sld [smem:$0x3FA3]  }
0x2a: {  	p0 =	seq.s32 s5, $0x0;
	s5 =	sld [smem:$0x3FA4]  }
0x2b: {  	s6 =	sld [smem:$0x3FA5]  }
0x2c: {  	s7 =	sld [smem:$0x3FA6]  }
0x2d: {  	s3 =	simm.s32 $0x108;
	s8 =	sld [smem:$0x3FA7]  }
0x2e: {  	s3 =	simm.s32 @!p0 $0x1082;
	s9 =	sld [smem:$0x3FA8]  }
0x2f: {  	lr =	sadd.s32 s0, s3;
	s0 =	sld [smem:$0x3F9F]  }
0x30: {  	s3 =	sld [smem:$0x3FA2]  }
0x31: {  	[smem:$0x3FAB] =	sst s10  }
0x32: {  	s10 =	sld [smem:$0x3FA9];
	_ =	sdelay $0x3  }
0x33: {  	p0 =	seq.s32 s10, $0x1;
	s10 =	sld [smem:$0x3FAB];
	_ =	sdelay $0x3  }
0x34: {  	[smem:$0x3FAB] =	sst s10  }
0x35: {  	s10 =	sld [smem:$0x3FAA];
	_ =	sdelay $0x3  }
0x36: {  	p1 =	seq.s32 s10, $0x1;
	s10 =	sld [smem:$0x3FAB];
	_ =	sdelay $0x3  }
0x37: {  	[smem:$0x3FAB] =	sst s10  }
0x38: {  	s10 =	sld [smem:$0x3FAC]  }
0x39: {  	_ = 	snop;
	(pc) =	sbr.ind lr, $3  }
0x3a: {  	_ = 	snop  }
0x3b: {  	_ = 	snop  }
0x3c: {  	p2 =	seq.s32 s10, $0x1;
	s10 =	sld [smem:$0x3FAB]  }
0x3d: {  	_ =	shalt  }
0x3e: {  	_ =	shalt  }
0x3f: {  	_ =	shalt  }
0x40: {  	_ =	shalt  }
0x41: {  	_ =	shalt  }
0x42: {  	_ =	shalt  }
0x43: {  	_ =	shalt  }
0x44: {  	_ =	shalt  }
0x45: {  	_ =	shalt  }
0x46: {  	_ =	shalt  }
0x47: {  	_ =	shalt  }
0x48: {  	_ =	shalt  }
0x49: {  	_ =	shalt  }
0x4a: {  	_ =	shalt  }
0x4b: {  	_ =	shalt  }
0x4c: {  	_ =	shalt  }
0x4d: {  	_ =	shalt  }
0x4e: {  	_ =	shalt  }
0x4f: {  	_ =	shalt  }
0x50: {  	_ =	shalt  }
0x51: {  	_ =	shalt  }
0x52: {  	_ =	shalt  }
0x53: {  	_ =	shalt  }
0x54: {  	_ =	shalt  }
0x55: {  	_ =	shalt  }
0x56: {  	_ =	shalt  }
0x57: {  	_ =	shalt  }
0x58: {  	_ =	shalt  }
0x59: {  	_ =	shalt  }
0x5a: {  	_ =	shalt  }
0x5b: {  	_ =	shalt  }
0x5c: {  	_ =	shalt  }
0x5d: {  	_ =	shalt  }
0x5e: {  	_ =	shalt  }
0x5f: {  	_ =	shalt  }
0x60: {  	_ =	shalt  }
0x61: {  	_ =	shalt  }
0x62: {  	_ =	shalt  }
0x63: {  	_ =	shalt  }
0x64: {  	_ =	shalt  }
0x65: {  	_ =	shalt  }
0x66: {  	_ =	shalt  }
0x67: {  	_ =	shalt  }
0x68: {  	_ =	shalt  }
0x69: {  	_ =	shalt  }
0x6a: {  	_ =	shalt  }
0x6b: {  	_ =	shalt  }
0x6c: {  	_ =	shalt  }
0x6d: {  	_ =	shalt  }
0x6e: {  	_ =	shalt  }
0x6f: {  	_ =	shalt  }
0x70: {  	_ =	shalt  }
0x71: {  	_ =	shalt  }
0x72: {  	_ =	shalt  }
0x73: {  	_ =	shalt  }
0x74: {  	_ =	shalt  }
0x75: {  	_ =	shalt  }
0x76: {  	_ =	shalt  }
0x77: {  	_ =	shalt  }
0x78: {  	_ =	shalt  }
0x79: {  	_ =	shalt  }
0x7a: {  	_ =	shalt  }
0x7b: {  	_ =	shalt  }
0x7c: {  	_ =	shalt  }
0x7d: {  	_ =	shalt  }
0x7e: {  	_ =	shalt  }
0x7f: {  	_ =	shalt  }
0x80: {  	_ =	shalt  }
0x81: {  	_ =	shalt  }
0x82: {  	_ =	shalt  }
0x83: {  	_ =	shalt  }
0x84: {  	_ =	shalt  }
0x85: {  	_ =	shalt  }
0x86: {  	_ =	shalt  }
0x87: {  	_ =	shalt  }
.Lfunc_end0:
.L_simem_size_0:
called_computation.2_lowered:
.L_overlay_start_0:
0x88: {  	s2 =	sld [smem:$0x3FD9]  }
0x89: {  	s3 =	sld [smem:$0x3FFE];
	_ =	sdelay $0x1  }
0x8a: {  	s1 =	srdreg.scid  }
0x8b: {  	s0 =	sand.u32 $0x1, s1  }
0x8c: {  	s17 =	sshll.u32 s0, $0xA;
	s2 =	sadd.s32 s3, s2  }
0x8d: {  	s2 =	sadd.s32 s2, s17  }
0x8e: {  	[smem:$0x3FB7] =	sst s2  }
0x8f: {  	_ = 	snop  }
0x90: {  	s18 =	sld [smem:$0x3FD0];
	(tm) =	ssettm $0x1  }
0x91: {  	s19 =	sld [smem:$0x3FFB];
	_ =	sdelay $0x3  }
0x92: {  	_ =	strace s19  }
0x93: {  	s2 =	sld [smem:$0x3FFC];
	_ =	sdelay $0x3  }
0x94: {  	_ =	strace s2  }
0x95: {  	s2 =	sld [smem:$0x3FFD];
	_ =	sdelay $0x3  }
0x96: {  	_ =	strace s2  }
0x97: {  	_ =	strace $0x8FFFFFFF  }
0x98: {  	s20 =	sld [smem:$0x3FDB];
	_ =	sdelay $0x1  }
0x99: {  	s4 =	simm.s32 $_scs_section_size  }
0x9a: {  	s5 =	simm.s32 $_size__tile_overlayer_lowered;
	s6 =	simm.s32 $_tile_overlayer_lowered  }
0x9b: {  	s7 =	simm.s32 $0x1BFF;
	s21 =	sshll.u32 s6, $0x1;
	s4 =	sadd.s32 s4, s20  }
0x9c: {  	s22 =	simm.s32 $0x0;
	s5 =	sshll.u32 s5, $0x1;
	s6 =	sadd.s32 s21, s4  }
0x9d: {  	[timem:s22], [sflag:s7] =	dma.local [hbm:s6], s5  }
0x9e: {  	_ =	swait.ge [sflag:s7], s5  }
0x9f: {  	s5 =	ssub.s32 $0x0, s5;
	[sflag:s7] =	ssyncset.done $0x0  }
0xa0: {  	[sflag:s7] =	ssyncadd.s32 s5;
	_ =	sdelay $0x1  }
0xa1: {  	s23 =	simm.s32 $0x1B8B  }
0xa2: {  	_ =	swait.ge [sflag:s23], $0x1  }
0xa3: {  	[sflag:s23] =	ssyncset.done $0x0  }
0xa4: {  	[sflag:s23] =	ssyncadd.s32 $0xFFFFFFFF  }
0xa5: {  	s5 =	sld [smem:$0x0]  }
0xa6: {  	s6 =	sand.u32 $0xFFFFFFFE, s1  }
0xa7: {  	p0 =	sne.s32 s1, s6  }
0xa8: {  	s6 =	sshll.u32 @p0 s6, $0xE  }
0xa9: {  	s6 =	sadd.s32 @p0 $0x11B8D, s6;
	s7 =	sshll.u32 @p0 s5, $0x11  }
0xaa: {  	s6 =	sor.u32 @p0 s7, s6  }
0xab: {  	[sflag:s6] =	ssyncadd.remote.s32 @p0 $0x1;
	_ =	sdelay $0x1  }
0xac: {  	s6 =	simm.s32 @p0 $0x1B8D  }
0xad: {  	_ =	swait.eq @p0 [sflag:s6], $0x1  }
0xae: {  	[sflag:s6] =	ssyncadd.s32 @p0 $0xFFFFFFFF  }
0xaf: {  	s7 =	sshll.u32 @!p0 s1, $0xE  }
0xb0: {  	s7 =	sor.u32 @!p0 $0x4000, s7;
	s6 =	simm.s32 @!p0 $0x1B8D  }
0xb1: {  	s5 =	sshll.u32 @!p0 s5, $0x11;
	s7 =	sadd.s32 @!p0 $0x11B8D, s7;
	_ =	swait.eq @!p0 [sflag:s6], $0x1  }
0xb2: {  	s5 =	sor.u32 @!p0 s5, s7;
	[sflag:s6] =	ssyncadd.s32 @!p0 $0xFFFFFFFF  }
0xb3: {  	s25 =	simm.s32 $0x1B8E;
	s24 =	sld [smem:$0x3FFE];
	[sflag:s5] =	ssyncadd.remote.s32 @!p0 $0x1  }
0xb4: {  	s26 =	simm.s32 $execute0_lowered;
	[smem:$0x3FD2] =	sst s25  }
0xb5: {  	s6 =	sshll.u32 s26, $0x1;
	_ =	strace $0x8000004F;
	[dreg:$0x1] =	wrdreg $0xFFFFFFFF  }
0xb6: {  	s28 =	simm.s32 $_size_execute0_lowered;
	s4 =	sadd.s32 s4, s6;
	[dreg:$0x0] =	wrdreg $0x0  }
0xb7: {  	s6 =	sshll.u32 s28, $0x1;
	[dreg:$0x2] =	wrdreg s4  }
0xb8: {  	[dreg:$0x3] =	wrdreg s6  }
0xb9: {  	[dreg:$0x4] =	wrdreg $0xC0  }
0xba: {  	_ =	task [dreg:s22], $0x5FFFF  }
0xbb: {  	[dreg:$0x1] =	wrdreg $0xFFFFFFFF  }
0xbc: {  	[dreg:$0x0] =	wrdreg $0x60  }
0xbd: {  	[dreg:$0x2] =	wrdreg s18  }
0xbe: {  	[dreg:$0x3] =	wrdreg s24  }
0xbf: {  	[dreg:$0x4] =	wrdreg $0xB  }
0xc0: {  	_ =	task.clear_ibuf [dreg:s22], $0x5FFFF;
	_ =	strace $0x9000004F  }
0xc1: {  	s29 =	simm.s32 $0xB;
	_ =	strace $0x80000051  }
0xc2: {  	_ =	swait.ge [sflag:s29], $0x1  }
0xc3: {  	[sflag:s29] =	ssyncadd.s32 $0xFFFFFFFF  }
0xc4: {  	_ =	strace $0x90000051  }
0xc5: {  	_ =	sfence  }
0xc6: {  	s30 =	sld [smem:$0x0];
	_ =	sdelay $0x2  }
0xc7: {  	s31 =	sshll.u32 s1, $0xD;
	s1 =	sshrl.u32 s1, $0x2  }
0xc8: {  	s4 =	sand.u32 $0x4000, s31;
	s1 =	sadd.s32 s1, s30  }
0xc9: {  	s0 =	sor.u32 s4, s0;
	s1 =	sshll.u32 s1, $0x11  }
0xca: {  	s0 =	sor.u32 s1, s0  }
0xcb: {  	s0 =	sadd.s32 $0x8F2B, s0  }
0xcc: {  	[sflag:s0] =	ssyncadd.remote.s32 $0x1  }
0xcd: {  	_ =	sfence.sel $0xFFFF  }
0xce: {  	[dreg:$0x0] =	wrdreg $0xFFFFFFFF;
	(pc) =	sbr.abs _section_cstart, $3  }
0xcf: {  	[dreg:$0x1] =	wrdreg $0xFFFFFFFF  }
0xd0: {  	_ =	task.clear_ibuf [dreg:s22], $0x2FFFF;
	_ =	strace $0x9FFFFFFF  }
0xd1: {  	(tm) =	ssettm $0x7FFFFFFF  }
tec
execute0_lowered:
.L_overlay_start_1:
0x0: {  	(tag) =	ssettag $0x1  }
0x1: {  	s2 =	rddreg [dreg:$0x0]  }
0x2: {  	s4 =	rddreg [dreg:$0x1]  }
0x3: {  	s3 =	srdreg.scid;
	s0 =	rddreg [dreg:$0x2]  }
0x4: {  	s1 =	stileid.u32;
	s9 =	simm.s32 $0x1000;
	s10 =	simm.s32 $0x1800  }
0x5: {  	s11 =	simm.s32 $0x2000;
	s12 =	simm.s32 $0x2800;
	s13 =	simm.s32 $0x3000  }
0x6: {  	s14 =	simm.s32 $0x3800;
	s15 =	simm.s32 $0x4000;
	s16 =	simm.s32 $0x4800  }
0x7: {  	s17 =	simm.s32 $0x5000;
	s18 =	simm.s32 $0x5800;
	s19 =	simm.s32 $0x6000  }
0x8: {  	s20 =	simm.s32 $0x6800;
	s21 =	simm.s32 $0x7000;
	s22 =	simm.s32 $0x7800  }
0x9: {  	s23 =	simm.s32 $0x8000;
	s24 =	simm.s32 $0x1;
	s25 =	simm.s32 $0x0  }
0xa: {  	s5 =	sand.u32 $0x1, s3;
	s3 =	simm.s32 $0x0;
	s6 =	sshll.u32 s1, $0xC  }
0xb: {  	s29 =	sshll.u32 s1, $0x11;
	s7 =	sshll.u32 s5, $0xB;
	[smem:$0x7FF] =	sst s3  }
0xc: {  	s8 =	ssub.s32 $0x2, s5;
	s5 =	sshll.u32 s5, $0x10;
	s6 =	sor.u32 s7, s6  }
0xd: {  	_ =	strace $0x80000050;
	s7 =	sadd.s32 s29, s4;
	s30 =	sshrl.u32 s8, $0x1  }
0xe: {  	v2 =	vlaneseq.u32;
	s6 =	sshrl.u32 s6, $0x3;
	s8 =	ssub.s32 s8, s30;
	s31 =	sadd.s32 s5, s7  }
0xf: {  	vm0 =	vmmov $0xffff;
	v1 =	vshrl.u32 v2, $0x3;
	s7 =	simm.s32 $0x2;
	s6 =	sadd.s32 s6, s4;
	s5 =	smax.u32 s8, $0x1  }
0x10: {  	v0 =	vand.u32 $0x7, v2;
	v2 =	vor.u32 $0x8, v2;
	v1 =	vmul.u32 $0x8, v1;
	s8 =	simm.s32 $0x800;
	s4 =	sadd.s32 $0x4C200, s6;
	s6 =	sadd.s32 $0x271800, s31  }
.LBB2_1:
0x11: {  	[tilespmem:s3], [sflag:$0x2] =	stream.linear.gather [hbm4b:s4+s3], $0x800, $0x38;
	[tilespmem:$0x8800] =	vst v63  }
0x12: {  	_ =	swait.ge [sflag:s7], $0x800  }
0x13: {  	[sflag:s7] =	ssyncset.done $0x0  }
0x14: {  	s26 =	simm.s32 $0x40;
	s28 =	simm.s32 $0x0;
	[sflag:s7] =	ssyncadd.s32 $0xFFFFF800  }
.LBB2_2:
0x15: {  	v3 =	vld [tilespmem:s26+$0xFFFFFFC0];
	_ =	sdelay $0x4  }
0x16: {  	v4 =	vshll.u32 v3, $0x1  }
0x17: {  	v3 =	vand.u32 $0x7, v3;
	v4 =	vand.u32 $0xFFFFFFF0, v4  }
0x18: {  	v3 =	vor.u32 v3, v4  }
0x19: {  	v4 =	vperm.xlane v3, v0;
	_ =	sdelay $0x1  }
0x1a: {  	v3 =	vperm.xlane v3, v2;
	v4 =	vadd.s32 v1, v4;
	_ =	sdelay $0x1  }
0x1b: {  	v3 =	vadd.s32 v1, v3;
	_ =	sdelay $0x2  }
0x1c: {  	[tilespmem:s8], [sflag:$0x1] =	stream.indirect_vreg.gather [hbm4b:s2+s3], $0x80, v4, vm0, $0xb8;
	[tilespmem:$0x8800] =	vst v63  }
0x1d: {  	_ = 	snop  }
0x1e: {  	[tilespmem:s9], [sflag:$0x1] =	stream.indirect_vreg.gather [hbm4b:s2+s3], $0x80, v3, vm0, $0xb8;
	[tilespmem:$0x8800] =	vst v63  }
0x1f: {  	v3 =	vld [tilespmem:s26+$0xFFFFFFD0];
	_ =	sdelay $0x4  }
0x20: {  	v57 =	vshll.u32 v3, $0x1  }
0x21: {  	v3 =	vand.u32 $0x7, v3;
	v4 =	vand.u32 $0xFFFFFFF0, v57  }
0x22: {  	v3 =	vor.u32 v3, v4  }
0x23: {  	v4 =	vperm.xlane v3, v0;
	_ =	sdelay $0x1  }
0x24: {  	v3 =	vperm.xlane v3, v2;
	v4 =	vadd.s32 v1, v4;
	_ =	sdelay $0x1  }
0x25: {  	v3 =	vadd.s32 v1, v3;
	_ =	sdelay $0x2  }
0x26: {  	[tilespmem:s10], [sflag:$0x1] =	stream.indirect_vreg.gather [hbm4b:s2+s3], $0x80, v4, vm0, $0xb8;
	[tilespmem:$0x8800] =	vst v63  }
0x27: {  	_ = 	snop  }
0x28: {  	[tilespmem:s11], [sflag:$0x1] =	stream.indirect_vreg.gather [hbm4b:s2+s3], $0x80, v3, vm0, $0xb8;
	[tilespmem:$0x8800] =	vst v63  }
0x29: {  	v3 =	vld [tilespmem:s26+$0xFFFFFFE0];
	_ =	sdelay $0x4  }
0x2a: {  	v58 =	vshll.u32 v3, $0x1  }
0x2b: {  	v3 =	vand.u32 $0x7, v3;
	v4 =	vand.u32 $0xFFFFFFF0, v58  }
0x2c: {  	v3 =	vor.u32 v3, v4  }
0x2d: {  	v4 =	vperm.xlane v3, v0;
	_ =	sdelay $0x1  }
0x2e: {  	v3 =	vperm.xlane v3, v2;
	v4 =	vadd.s32 v1, v4;
	_ =	sdelay $0x1  }
0x2f: {  	v3 =	vadd.s32 v1, v3;
	_ =	sdelay $0x2  }
0x30: {  	[tilespmem:s12], [sflag:$0x1] =	stream.indirect_vreg.gather [hbm4b:s2+s3], $0x80, v4, vm0, $0xb8;
	[tilespmem:$0x8800] =	vst v63  }
0x31: {  	_ = 	snop  }
0x32: {  	[tilespmem:s13], [sflag:$0x1] =	stream.indirect_vreg.gather [hbm4b:s2+s3], $0x80, v3, vm0, $0xb8;
	[tilespmem:$0x8800] =	vst v63  }
0x33: {  	v3 =	vld [tilespmem:s26+$0xFFFFFFF0];
	_ =	sdelay $0x4  }
0x34: {  	v59 =	vshll.u32 v3, $0x1  }
0x35: {  	v3 =	vand.u32 $0x7, v3;
	v4 =	vand.u32 $0xFFFFFFF0, v59  }
0x36: {  	v3 =	vor.u32 v3, v4  }
0x37: {  	v4 =	vperm.xlane v3, v0;
	_ =	sdelay $0x1  }
0x38: {  	v3 =	vperm.xlane v3, v2;
	v4 =	vadd.s32 v1, v4;
	_ =	sdelay $0x1  }
0x39: {  	v3 =	vadd.s32 v1, v3;
	_ =	sdelay $0x2  }
0x3a: {  	[tilespmem:s14], [sflag:$0x1] =	stream.indirect_vreg.gather [hbm4b:s2+s3], $0x80, v4, vm0, $0xb8;
	[tilespmem:$0x8800] =	vst v63  }
0x3b: {  	_ = 	snop  }
0x3c: {  	[tilespmem:s15], [sflag:$0x1] =	stream.indirect_vreg.gather [hbm4b:s2+s3], $0x80, v3, vm0, $0xb8;
	[tilespmem:$0x8800] =	vst v63  }
0x3d: {  	v3 =	vld [tilespmem:s26+$0x0];
	_ =	sdelay $0x4  }
0x3e: {  	v60 =	vshll.u32 v3, $0x1  }
0x3f: {  	v3 =	vand.u32 $0x7, v3;
	v4 =	vand.u32 $0xFFFFFFF0, v60  }
0x40: {  	v3 =	vor.u32 v3, v4  }
0x41: {  	v4 =	vperm.xlane v3, v0;
	_ =	sdelay $0x1  }
0x42: {  	v3 =	vperm.xlane v3, v2;
	v4 =	vadd.s32 v1, v4;
	_ =	sdelay $0x1  }
0x43: {  	v3 =	vadd.s32 v1, v3;
	_ =	sdelay $0x2  }
0x44: {  	[tilespmem:s16], [sflag:$0x1] =	stream.indirect_vreg.gather [hbm4b:s2+s3], $0x80, v4, vm0, $0xb8;
	[tilespmem:$0x8800] =	vst v63  }
0x45: {  	_ = 	snop  }
0x46: {  	[tilespmem:s17], [sflag:$0x1] =	stream.indirect_vreg.gather [hbm4b:s2+s3], $0x80, v3, vm0, $0xb8;
	[tilespmem:$0x8800] =	vst v63  }
0x47: {  	v3 =	vld [tilespmem:s26+$0x10];
	_ =	sdelay $0x4  }
0x48: {  	v61 =	vshll.u32 v3, $0x1  }
0x49: {  	v3 =	vand.u32 $0x7, v3;
	v4 =	vand.u32 $0xFFFFFFF0, v61  }
0x4a: {  	v3 =	vor.u32 v3, v4  }
0x4b: {  	v4 =	vperm.xlane v3, v0;
	_ =	sdelay $0x1  }
0x4c: {  	v3 =	vperm.xlane v3, v2;
	v4 =	vadd.s32 v1, v4;
	_ =	sdelay $0x1  }
0x4d: {  	v3 =	vadd.s32 v1, v3;
	_ =	sdelay $0x2  }
0x4e: {  	[tilespmem:s18], [sflag:$0x1] =	stream.indirect_vreg.gather [hbm4b:s2+s3], $0x80, v4, vm0, $0xb8;
	[tilespmem:$0x8800] =	vst v63  }
0x4f: {  	_ = 	snop  }
0x50: {  	[tilespmem:s19], [sflag:$0x1] =	stream.indirect_vreg.gather [hbm4b:s2+s3], $0x80, v3, vm0, $0xb8;
	[tilespmem:$0x8800] =	vst v63  }
0x51: {  	v3 =	vld [tilespmem:s26+$0x20];
	_ =	sdelay $0x4  }
0x52: {  	v62 =	vshll.u32 v3, $0x1  }
0x53: {  	v3 =	vand.u32 $0x7, v3;
	v4 =	vand.u32 $0xFFFFFFF0, v62  }
0x54: {  	v3 =	vor.u32 v3, v4  }
0x55: {  	v4 =	vperm.xlane v3, v0;
	_ =	sdelay $0x1  }
0x56: {  	v3 =	vperm.xlane v3, v2;
	v4 =	vadd.s32 v1, v4;
	_ =	sdelay $0x1  }
0x57: {  	v3 =	vadd.s32 v1, v3;
	_ =	sdelay $0x2  }
0x58: {  	[tilespmem:s20], [sflag:$0x1] =	stream.indirect_vreg.gather [hbm4b:s2+s3], $0x80, v4, vm0, $0xb8;
	[tilespmem:$0x8800] =	vst v63  }
0x59: {  	_ = 	snop  }
0x5a: {  	[tilespmem:s21], [sflag:$0x1] =	stream.indirect_vreg.gather [hbm4b:s2+s3], $0x80, v3, vm0, $0xb8;
	[tilespmem:$0x8800] =	vst v63  }
0x5b: {  	v3 =	vld [tilespmem:s26+$0x30];
	_ =	sdelay $0x4  }
0x5c: {  	v63 =	vshll.u32 v3, $0x1  }
0x5d: {  	v3 =	vand.u32 $0x7, v3;
	v4 =	vand.u32 $0xFFFFFFF0, v63  }
0x5e: {  	v3 =	vor.u32 v3, v4  }
0x5f: {  	v4 =	vperm.xlane v3, v0;
	_ =	sdelay $0x1  }
0x60: {  	v3 =	vperm.xlane v3, v2;
	v4 =	vadd.s32 v1, v4;
	_ =	sdelay $0x1  }
0x61: {  	v3 =	vadd.s32 v1, v3;
	_ =	sdelay $0x2  }
0x62: {  	[tilespmem:s22], [sflag:$0x1] =	stream.indirect_vreg.gather [hbm4b:s2+s3], $0x80, v4, vm0, $0xb8;
	[tilespmem:$0x8800] =	vst v63  }
0x63: {  	_ = 	snop  }
0x64: {  	[tilespmem:s23], [sflag:$0x1] =	stream.indirect_vreg.gather [hbm4b:s2+s3], $0x80, v3, vm0, $0xb8;
	[tilespmem:$0x8800] =	vst v63  }
0x65: {  	_ =	swait.ge [sflag:s24], $0x8000  }
0x66: {  	p0 =	sne.s32 s28, $0xF000;
	[sflag:s24] =	ssyncset.done $0x0  }
.Ltmp0:
0x67: {  	s29 =	sadd.s32 s28, s6;
	[sflag:s24] =	ssyncadd.s32 $0xFFFF8000;
	(pc) =	sbr.rel @p0 .LBB2_2-.Ltmp0, $4  }
0x68: {  	[hbm4b:s29+s3] =	stream.linear.scatter [tilespmem:s8], [sflag:$0x2], $0x8000, $0x38;
	[tilespmem:$0x8800] =	vst v63  }
0x69: {  	_ =	swait.ge [sflag:s7], $0x8000  }
0x6a: {  	[sflag:s7] =	ssyncset.done $0x0  }
0x6b: {  	s28 =	sadd.s32 $0x1000, s28;
	s26 =	sadd.s32 $0x80, s26;
	[sflag:s7] =	ssyncadd.s32 $0xFFFF8000  }
0x6c: {  	s25 =	sadd.s32 $0x1, s25  }
0x6d: {  	p0 =	sne.s32 s25, s5  }
.Ltmp1:
0x6e: {  	_ = 	snop;
	(pc) =	sbr.rel @p0 .LBB2_1-.Ltmp1, $1  }
0x6f: {  	_ =	sdelay $0x3  }
0x70: {  	_ =	sfence.sel $0x180000  }
0x71: {  	[bflag:$0x0] =	sbarrier.arrive $0xFFFF  }
0x72: {  	p0 =	sne.s32 s1, $0x0;
	_ =	strace $0x90000050  }
0x73: {  	s0 =	sadd.s32 @!p0 $0x100000, s0;
	[bflag:$0x2] =	sbarrier.arrive $0xFFFF  }
0x74: {  	[sflag:s0] =	ssyncadd.tile.s32 @!p0 $0x1;
	_ =	shalt  }
.Lfunc_end2:
_tile_overlayer_lowered:
.L_overlay_start_2:
0x75: {  	(tag) =	ssettag $0x2  }
0x76: {  	s0 =	rddreg [dreg:$0x0];
	s2 =	stileid.u32  }
0x77: {  	s1 =	rddreg [dreg:$0x1];
	p0 =	sne.s32 s2, $0x0  }
0x78: {  	s3 =	rddreg [dreg:$0x2];
	[bflag:$0x3] =	sbarrier.arrive $0xFFFF;
	s2 =	simm.s32 @!p0 $0x1C02  }
0x79: {  	[timem:s3], [sflag:s2] =	dma.local @!p0 [hbm:s0], s1  }
0x7a: {  	s0 =	simm.s32 @!p0 $0x2  }
0x7b: {  	_ =	swait.ge @!p0 [sflag:s0], s1  }
0x7c: {  	s1 =	ssub.s32 @!p0 $0x0, s1;
	[sflag:s0] =	ssyncset.done @!p0 $0x0  }
0x7d: {  	[sflag:s0] =	ssyncadd.s32 @!p0 s1  }
0x7e: {  	[bflag:$0x3] =	sbarrier.arrive $0xFFFF  }
0x7f: {  	_ =	shalt  }

// kernel: kernel.20.cloned.1.call-start
scs
__scs_entry_jumppad:
0x0: {  	(pc) =	sbr.rel $0x88, $3  }
0x1: {  	(tag) =	ssettag $0x0;
	lr =	simm.s32 $0x1  }
0x2: {  	[smem:$0x3F90] =	sst lr;
	_ =	strace $0xD0000000  }
0x3: {  	_ = 	snop  }
0x4: {  	_ = 	snop  }
0x5: {  	_ = 	snop  }
0x6: {  	_ = 	snop  }
0x7: {  	_ = 	snop  }
__scs_overlays_trampoline_lowered:
0x8: {  	[smem:$0x3F9F] =	sst s0  }
0x9: {  	[smem:$0x3FA0] =	sst s1  }
0xa: {  	[smem:$0x3FA1] =	sst s2  }
0xb: {  	[smem:$0x3FA2] =	sst s3  }
0xc: {  	[smem:$0x3FA3] =	sst s4  }
0xd: {  	[smem:$0x3FA4] =	sst s5  }
0xe: {  	[smem:$0x3FA5] =	sst s6  }
0xf: {  	[smem:$0x3FA6] =	sst s7  }
0x10: {  	[smem:$0x3FA7] =	sst s8  }
0x11: {  	[smem:$0x3FA8] =	sst s9;
	s0 =	simm.s32 @!p0 $0x0  }
0x12: {  	s1 =	sld [smem:$0x3F8E];
	s0 =	simm.s32 @p0 $0x1  }
0x13: {  	[smem:$0x3FA9] =	sst s0;
	s0 =	simm.s32 @!p1 $0x0  }
0x14: {  	s2 =	sld [smem:$0x3F8D];
	s0 =	simm.s32 @p1 $0x1  }
0x15: {  	[smem:$0x3FAA] =	sst s0;
	s0 =	simm.s32 @!p2 $0x0  }
0x16: {  	s3 =	sld [smem:$0x3FDB];
	s0 =	simm.s32 @p2 $0x1  }
0x17: {  	s4 =	simm.s32 $0x1BF5;
	[smem:$0x3FAC] =	sst s0  }
0x18: {  	s0 =	sld [smem:$0x3F8F];
	_ =	swait.ge [sflag:s4], $0x0  }
0x19: {  	s7 =	sld [smem:$0x3F90]  }
0x1a: {  	s8 =	sadd.s32 $0xFFFFE003, lr  }
0x1b: {  	s9 =	sadd.s32 $0xFFFFFEF7, lr;
	s5 =	simm.s32 $0xFFFFFFFF;
	p2 =	slt.u32 s8, $0xFFFFF086  }
0x1c: {  	p1 =	slt.u32 s9, $0xF7A;
	s5 =	simm.s32 @!p2 $0x0  }
0x1d: {  	s5 =	simm.s32 @p1 $0x1;
	p0 =	seq.s32 s7, s2  }
0x1e: {  	s7 =	smul.u32 @!p0 $0xF7A, s2;
	p2 =	seq.s32 @!p0 s5, $0x0  }
0x1f: {  	s9 =	smul.u32 $0xF7A, s1;
	s8 =	simm.s32 @!p0 $0x1BF5;
	p2 =	por !p2, p0  }
0x20: {  	[sflag:s8] =	ssyncset.s32 @!p0 $0xFFFFF086;
	s6 =	sadd.s32 @!p0 s3, s7;
	s7 =	simm.s32 @!p0 $0x108  }
0x21: {  	s3 =	sadd.s32 s3, s9;
	s6 =	sadd.s32 @!p0 $0x88, s6;
	s7 =	simm.s32 @p2 $0x1082  }
0x22: {  	[simem:s7], [sflag:s8] =	dma.local @!p0 [hbm:s6], $0xF7A  }
0x23: {  	s9 =	sor.u32 $0xD0000000, s2;
	s6 =	simm.s32 $0x108;
	_ =	swait.ge @!p0 [sflag:s8], $0x0  }
0x24: {  	s3 =	sadd.s32 $0x88, s3;
	s6 =	simm.s32 @!p1 $0x1082;
	[sflag:s4] =	ssyncset.s32 $0xFFFFF086  }
0x25: {  	[simem:s6], [sflag:s4] =	dma.local [hbm:s3], $0xF7A  }
0x26: {  	[smem:$0x3F90] =	sst s1;
	(tag) =	ssettag s2;
	_ =	strace s9  }
0x27: {  	s1 =	sld [smem:$0x3FA0]  }
0x28: {  	s2 =	sld [smem:$0x3FA1]  }
0x29: {  	s4 =	sld [smem:$0x3FA3]  }
0x2a: {  	p0 =	seq.s32 s5, $0x0;
	s5 =	sld [smem:$0x3FA4]  }
0x2b: {  	s6 =	sld [smem:$0x3FA5]  }
0x2c: {  	s7 =	sld [smem:$0x3FA6]  }
0x2d: {  	s3 =	simm.s32 $0x108;
	s8 =	sld [smem:$0x3FA7]  }
0x2e: {  	s3 =	simm.s32 @!p0 $0x1082;
	s9 =	sld [smem:$0x3FA8]  }
0x2f: {  	lr =	sadd.s32 s0, s3;
	s0 =	sld [smem:$0x3F9F]  }
0x30: {  	s3 =	sld [smem:$0x3FA2]  }
0x31: {  	[smem:$0x3FAB] =	sst s10  }
0x32: {  	s10 =	sld [smem:$0x3FA9];
	_ =	sdelay $0x3  }
0x33: {  	p0 =	seq.s32 s10, $0x1;
	s10 =	sld [smem:$0x3FAB];
	_ =	sdelay $0x3  }
0x34: {  	[smem:$0x3FAB] =	sst s10  }
0x35: {  	s10 =	sld [smem:$0x3FAA];
	_ =	sdelay $0x3  }
0x36: {  	p1 =	seq.s32 s10, $0x1;
	s10 =	sld [smem:$0x3FAB];
	_ =	sdelay $0x3  }
0x37: {  	[smem:$0x3FAB] =	sst s10  }
0x38: {  	s10 =	sld [smem:$0x3FAC]  }
0x39: {  	_ = 	snop;
	(pc) =	sbr.ind lr, $3  }
0x3a: {  	_ = 	snop  }
0x3b: {  	_ = 	snop  }
0x3c: {  	p2 =	seq.s32 s10, $0x1;
	s10 =	sld [smem:$0x3FAB]  }
0x3d: {  	_ =	shalt  }
0x3e: {  	_ =	shalt  }
0x3f: {  	_ =	shalt  }
0x40: {  	_ =	shalt  }
0x41: {  	_ =	shalt  }
0x42: {  	_ =	shalt  }
0x43: {  	_ =	shalt  }
0x44: {  	_ =	shalt  }
0x45: {  	_ =	shalt  }
0x46: {  	_ =	shalt  }
0x47: {  	_ =	shalt  }
0x48: {  	_ =	shalt  }
0x49: {  	_ =	shalt  }
0x4a: {  	_ =	shalt  }
0x4b: {  	_ =	shalt  }
0x4c: {  	_ =	shalt  }
0x4d: {  	_ =	shalt  }
0x4e: {  	_ =	shalt  }
0x4f: {  	_ =	shalt  }
0x50: {  	_ =	shalt  }
0x51: {  	_ =	shalt  }
0x52: {  	_ =	shalt  }
0x53: {  	_ =	shalt  }
0x54: {  	_ =	shalt  }
0x55: {  	_ =	shalt  }
0x56: {  	_ =	shalt  }
0x57: {  	_ =	shalt  }
0x58: {  	_ =	shalt  }
0x59: {  	_ =	shalt  }
0x5a: {  	_ =	shalt  }
0x5b: {  	_ =	shalt  }
0x5c: {  	_ =	shalt  }
0x5d: {  	_ =	shalt  }
0x5e: {  	_ =	shalt  }
0x5f: {  	_ =	shalt  }
0x60: {  	_ =	shalt  }
0x61: {  	_ =	shalt  }
0x62: {  	_ =	shalt  }
0x63: {  	_ =	shalt  }
0x64: {  	_ =	shalt  }
0x65: {  	_ =	shalt  }
0x66: {  	_ =	shalt  }
0x67: {  	_ =	shalt  }
0x68: {  	_ =	shalt  }
0x69: {  	_ =	shalt  }
0x6a: {  	_ =	shalt  }
0x6b: {  	_ =	shalt  }
0x6c: {  	_ =	shalt  }
0x6d: {  	_ =	shalt  }
0x6e: {  	_ =	shalt  }
0x6f: {  	_ =	shalt  }
0x70: {  	_ =	shalt  }
0x71: {  	_ =	shalt  }
0x72: {  	_ =	shalt  }
0x73: {  	_ =	shalt  }
0x74: {  	_ =	shalt  }
0x75: {  	_ =	shalt  }
0x76: {  	_ =	shalt  }
0x77: {  	_ =	shalt  }
0x78: {  	_ =	shalt  }
0x79: {  	_ =	shalt  }
0x7a: {  	_ =	shalt  }
0x7b: {  	_ =	shalt  }
0x7c: {  	_ =	shalt  }
0x7d: {  	_ =	shalt  }
0x7e: {  	_ =	shalt  }
0x7f: {  	_ =	shalt  }
0x80: {  	_ =	shalt  }
0x81: {  	_ =	shalt  }
0x82: {  	_ =	shalt  }
0x83: {  	_ =	shalt  }
0x84: {  	_ =	shalt  }
0x85: {  	_ =	shalt  }
0x86: {  	_ =	shalt  }
0x87: {  	_ =	shalt  }
.Lfunc_end0:
.L_simem_size_0:
called_computation.3_lowered:
.L_overlay_start_0:
0x88: {  	s2 =	sld [smem:$0x3FD9]  }
0x89: {  	s3 =	sld [smem:$0x3FFE];
	_ =	sdelay $0x1  }
0x8a: {  	s1 =	srdreg.scid  }
0x8b: {  	s0 =	sand.u32 $0x1, s1  }
0x8c: {  	s17 =	sshll.u32 s0, $0xA;
	s2 =	sadd.s32 s3, s2  }
0x8d: {  	s2 =	sadd.s32 s2, s17  }
0x8e: {  	[smem:$0x3FB7] =	sst s2  }
0x8f: {  	_ = 	snop  }
0x90: {  	(tm) =	ssettm $0x1  }
0x91: {  	s18 =	sld [smem:$0x3FFB];
	_ =	sdelay $0x3  }
0x92: {  	_ =	strace s18  }
0x93: {  	s2 =	sld [smem:$0x3FFC];
	_ =	sdelay $0x3  }
0x94: {  	_ =	strace s2  }
0x95: {  	s2 =	sld [smem:$0x3FFD];
	_ =	sdelay $0x3  }
0x96: {  	_ =	strace s2  }
0x97: {  	_ =	strace $0x8FFFFFFF  }
0x98: {  	s19 =	sld [smem:$0x3FDB];
	_ =	sdelay $0x1  }
0x99: {  	s20 =	simm.s32 $_scs_section_size  }
0x9a: {  	s4 =	simm.s32 $_size__tile_overlayer_lowered;
	s5 =	simm.s32 $_tile_overlayer_lowered  }
0x9b: {  	s6 =	simm.s32 $0x1BFF;
	s21 =	sshll.u32 s5, $0x1;
	s3 =	sadd.s32 s20, s19  }
0x9c: {  	s22 =	simm.s32 $0x0;
	s4 =	sshll.u32 s4, $0x1;
	s5 =	sadd.s32 s21, s3  }
0x9d: {  	[timem:s22], [sflag:s6] =	dma.local [hbm:s5], s4  }
0x9e: {  	_ =	swait.ge [sflag:s6], s4  }
0x9f: {  	s4 =	ssub.s32 $0x0, s4;
	[sflag:s6] =	ssyncset.done $0x0  }
0xa0: {  	[sflag:s6] =	ssyncadd.s32 s4;
	_ =	sdelay $0x1  }
0xa1: {  	s23 =	simm.s32 $0x1B8B  }
0xa2: {  	_ =	swait.ge [sflag:s23], $0x1  }
0xa3: {  	[sflag:s23] =	ssyncset.done $0x0  }
0xa4: {  	[sflag:s23] =	ssyncadd.s32 $0xFFFFFFFF  }
0xa5: {  	s4 =	sld [smem:$0x0]  }
0xa6: {  	s5 =	sand.u32 $0xFFFFFFFE, s1  }
0xa7: {  	p0 =	sne.s32 s1, s5  }
0xa8: {  	s5 =	sshll.u32 @p0 s5, $0xE  }
0xa9: {  	s5 =	sadd.s32 @p0 $0x11B8D, s5;
	s6 =	sshll.u32 @p0 s4, $0x11  }
0xaa: {  	s5 =	sor.u32 @p0 s6, s5  }
0xab: {  	[sflag:s5] =	ssyncadd.remote.s32 @p0 $0x1;
	_ =	sdelay $0x1  }
0xac: {  	s5 =	simm.s32 @p0 $0x1B8D  }
0xad: {  	_ =	swait.eq @p0 [sflag:s5], $0x1  }
0xae: {  	[sflag:s5] =	ssyncadd.s32 @p0 $0xFFFFFFFF  }
0xaf: {  	s6 =	sshll.u32 @!p0 s1, $0xE  }
0xb0: {  	s6 =	sor.u32 @!p0 $0x4000, s6;
	s5 =	simm.s32 @!p0 $0x1B8D  }
0xb1: {  	s4 =	sshll.u32 @!p0 s4, $0x11;
	s6 =	sadd.s32 @!p0 $0x11B8D, s6;
	_ =	swait.eq @!p0 [sflag:s5], $0x1  }
0xb2: {  	s4 =	sor.u32 @!p0 s4, s6;
	[sflag:s5] =	ssyncadd.s32 @!p0 $0xFFFFFFFF  }
0xb3: {  	s25 =	simm.s32 $0x1B8E;
	s24 =	sld [smem:$0x3FFE];
	[sflag:s4] =	ssyncadd.remote.s32 @!p0 $0x1  }
0xb4: {  	s26 =	simm.s32 $execute0_lowered;
	[smem:$0x3FD2] =	sst s25  }
0xb5: {  	s5 =	sshll.u32 s26, $0x1;
	_ =	strace $0x80000049;
	[dreg:$0x1] =	wrdreg $0xFFFFFFFF  }
0xb6: {  	s28 =	simm.s32 $_size_execute0_lowered;
	s3 =	sadd.s32 s3, s5;
	[dreg:$0x0] =	wrdreg $0x0  }
0xb7: {  	s5 =	sshll.u32 s28, $0x1;
	[dreg:$0x2] =	wrdreg s3  }
0xb8: {  	[dreg:$0x3] =	wrdreg s5  }
0xb9: {  	[dreg:$0x4] =	wrdreg $0xC0  }
0xba: {  	_ =	task [dreg:s22], $0x5FFFF  }
0xbb: {  	[dreg:$0x1] =	wrdreg $0xFFFFFFFF  }
0xbc: {  	[dreg:$0x0] =	wrdreg $0x60  }
0xbd: {  	[dreg:$0x2] =	wrdreg s24  }
0xbe: {  	[dreg:$0x3] =	wrdreg $0xC  }
0xbf: {  	_ =	task.clear_ibuf [dreg:s22], $0x4FFFF;
	_ =	strace $0x90000049  }
0xc0: {  	s29 =	simm.s32 $0xC;
	_ =	strace $0x8000004B  }
0xc1: {  	_ =	swait.ge [sflag:s29], $0x1  }
0xc2: {  	[sflag:s29] =	ssyncadd.s32 $0xFFFFFFFF  }
0xc3: {  	_ =	strace $0x9000004B  }
0xc4: {  	_ =	sfence  }
0xc5: {  	s30 =	sld [smem:$0x0];
	_ =	sdelay $0x2  }
0xc6: {  	s31 =	sshll.u32 s1, $0xD;
	s1 =	sshrl.u32 s1, $0x2  }
0xc7: {  	s4 =	sand.u32 $0x4000, s31;
	s1 =	sadd.s32 s1, s30  }
0xc8: {  	s0 =	sor.u32 s4, s0;
	s1 =	sshll.u32 s1, $0x11  }
0xc9: {  	s0 =	sor.u32 s1, s0  }
0xca: {  	s0 =	sadd.s32 $0x8F2B, s0  }
0xcb: {  	[sflag:s0] =	ssyncadd.remote.s32 $0x1  }
0xcc: {  	_ =	sfence.sel $0xFFFF  }
0xcd: {  	[dreg:$0x0] =	wrdreg $0xFFFFFFFF;
	(pc) =	sbr.abs _section_cstart, $3  }
0xce: {  	[dreg:$0x1] =	wrdreg $0xFFFFFFFF  }
0xcf: {  	_ =	task.clear_ibuf [dreg:s22], $0x2FFFF;
	_ =	strace $0x9FFFFFFF  }
0xd0: {  	(tm) =	ssettm $0x7FFFFFFF  }
0xd1: {  	_ =	shalt  }
tec
execute0_lowered:
.L_overlay_start_1:
0x0: {  	(tag) =	ssettag $0x1  }
0x1: {  	s4 =	rddreg [dreg:$0x0]  }
0x2: {  	s0 =	rddreg [dreg:$0x1]  }
0x3: {  	s3 =	srdreg.scid;
	s2 =	simm.s32 $0x0;
	s1 =	stileid.u32  }
0x4: {  	s10 =	simm.s32 $0x1;
	s11 =	simm.s32 $0x0;
	s5 =	sand.u32 $0x1, s3  }
0x5: {  	[smem:$0x7FF] =	sst s2;
	s29 =	sshll.u32 s1, $0xC;
	s3 =	sadd.s32 $0x18200, s4  }
0x6: {  	s8 =	sshll.u32 s1, $0xD;
	s6 =	sshll.u32 s5, $0xB;
	_ =	strace $0x8000004A  }
0x7: {  	s7 =	ssub.s32 $0x2, s5;
	s8 =	sadd.s32 s8, s4;
	s30 =	sshll.u32 s5, $0xC  }
0x8: {  	s6 =	sor.u32 s6, s29;
	s9 =	sshrl.u32 s7, $0x1;
	s31 =	sadd.s32 s30, s8  }
0x9: {  	s8 =	simm.s32 $0x80;
	s6 =	sshrl.u32 s6, $0x3;
	s7 =	ssub.s32 s7, s9  }
0xa: {  	s9 =	simm.s32 $0x800;
	s6 =	sadd.s32 s6, s4;
	s5 =	smax.u32 s7, $0x1  }
0xb: {  	s7 =	simm.s32 $0x2;
	s4 =	sadd.s32 $0x4C200, s6;
	s6 =	sadd.s32 $0x4E200, s31  }
.LBB2_1:
0xc: {  	[tilespmem:s2], [sflag:$0x2] =	stream.linear.gather [hbm4b:s4+s2], $0x800, $0x38;
	[tilespmem:$0x1000] =	vst v63  }
0xd: {  	_ =	swait.ge [sflag:s7], $0x800  }
0xe: {  	[sflag:s7] =	ssyncset.done $0x0  }
0xf: {  	[sflag:s7] =	ssyncadd.s32 $0xFFFFF800  }
0x10: {  	[tilespmem:s9], [sflag:$0x1] =	stream.indirect.gather [hbm4b:s3+s8], $0x10, s2, s8, $0xb8;
	[tilespmem:$0x1000] =	vst v63  }
0x11: {  	_ =	swait.ge [sflag:s10], $0x800  }
0x12: {  	[sflag:s10] =	ssyncset.done $0x0  }
0x13: {  	s12 =	sadd.s32 $0x0, s6;
	[sflag:s10] =	ssyncadd.s32 $0xFFFFF800  }
0x14: {  	[hbm4b:s12+s2] =	stream.linear.scatter [tilespmem:s9], [sflag:$0x2], $0x800, $0x38;
	[tilespmem:$0x1000] =	vst v63  }
0x15: {  	_ =	swait.ge [sflag:s7], $0x800  }
0x16: {  	s13 =	simm.s32 $0x0;
	s12 =	simm.s32 $0x100;
	[sflag:s7] =	ssyncset.done $0x0  }
.LBB2_2:
0x17: {  	p0 =	sne.s32 s12, $0xF00;
	[sflag:s7] =	ssyncadd.s32 $0xFFFFF800;
	s13 =	sadd.s32 $0x80, s13  }
0x18: {  	[tilespmem:s9], [sflag:$0x1] =	stream.indirect.gather [hbm4b:s3+s8], $0x10, s13, s8, $0xb8;
	[tilespmem:$0x1000] =	vst v63  }
0x19: {  	s14 =	smov.u32 s12;
	s12 =	sadd.s32 $0x100, s12;
	_ =	swait.ge [sflag:s10], $0x800  }
.Ltmp0:
0x1a: {  	[sflag:s10] =	ssyncset.done $0x0;
	(pc) =	sbr.rel @p0 .LBB2_2-.Ltmp0, $4  }
0x1b: {  	s14 =	sadd.s32 s14, s6;
	[sflag:s10] =	ssyncadd.s32 $0xFFFFF800  }
0x1c: {  	[hbm4b:s14+s2] =	stream.linear.scatter [tilespmem:s9], [sflag:$0x2], $0x800, $0x38;
	[tilespmem:$0x1000] =	vst v63  }
0x1d: {  	_ =	swait.ge [sflag:s7], $0x800  }
0x1e: {  	[sflag:s7] =	ssyncset.done $0x0  }
0x1f: {  	s11 =	sadd.s32 $0x1, s11  }
0x20: {  	p0 =	sne.s32 s11, s5  }
.Ltmp1:
0x21: {  	_ = 	snop;
	(pc) =	sbr.rel @p0 .LBB2_1-.Ltmp1, $2  }
0x22: {  	_ =	sdelay $0x2  }
0x23: {  	[sflag:s7] =	ssyncadd.s32 $0xFFFFF800  }
0x24: {  	_ =	sfence.sel $0x180000  }
0x25: {  	[bflag:$0x0] =	sbarrier.arrive $0xFFFF  }
0x26: {  	p0 =	sne.s32 s1, $0x0;
	_ =	strace $0x9000004A  }
0x27: {  	s0 =	sadd.s32 @!p0 $0x100000, s0;
	[bflag:$0x2] =	sbarrier.arrive $0xFFFF  }
0x28: {  	[sflag:s0] =	ssyncadd.tile.s32 @!p0 $0x1;
	_ =	shalt  }
.Lfunc_end2:
_tile_overlayer_lowered:
.L_overlay_start_2:
0x29: {  	(tag) =	ssettag $0x2  }
0x2a: {  	s0 =	rddreg [dreg:$0x0];
	s2 =	stileid.u32  }
0x2b: {  	s1 =	rddreg [dreg:$0x1];
	p0 =	sne.s32 s2, $0x0  }
0x2c: {  	s3 =	rddreg [dreg:$0x2];
	[bflag:$0x3] =	sbarrier.arrive $0xFFFF;
	s2 =	simm.s32 @!p0 $0x1C02  }
0x2d: {  	[timem:s3], [sflag:s2] =	dma.local @!p0 [hbm:s0], s1  }
0x2e: {  	s0 =	simm.s32 @!p0 $0x2  }
0x2f: {  	_ =	swait.ge @!p0 [sflag:s0], s1  }
0x30: {  	s1 =	ssub.s32 @!p0 $0x0, s1;
	[sflag:s0] =	ssyncset.done @!p0 $0x0  }
0x31: {  	[sflag:s0] =	ssyncadd.s32 @!p0 s1  }
0x32: {  	[bflag:$0x3] =	sbarrier.arrive $0xFFFF  }
0x33: {  	_ =	shalt  }

</sc_bundles>
